<compile_context>
chip_gen: v7x
topology: tpu7x:2x2x1
jax: 0.10.2.dev20260603
libtpu: 0.0.44.dev20260713+nightly
codegen_flags: <defaults>
</compile_context>

<pallas_src>
import functools

import jax
import jax.numpy as jnp
from jax import lax
from jax.experimental import pallas as pl
from jax.experimental.pallas import tpu as pltpu
from jax.experimental.pallas import tpu_sc as plsc


B, N, M = 8, 2048, 2048
NC, NS, L = 2, 16, 16
NW = NC * NS
GPB = NW // B
CH = N // GPB
JB = M // L
ITILE = 16

_mesh = plsc.VectorSubcoreMesh(core_axis_name="c", subcore_axis_name="s")

_GDN = lax.GatherDimensionNumbers(
    offset_dims=(), collapsed_slice_dims=(0,), start_index_map=(0,))


def _perm(v, idx):
    return lax.gather(v, idx[:, None], dimension_numbers=_GDN,
                      slice_sizes=(1,),
                      mode=lax.GatherScatterMode.PROMISE_IN_BOUNDS)


def _xlane_reduce(v, op):
    lane = lax.iota(jnp.int32, L)
    for sh in (8, 4, 2, 1):
        v = op(v, _perm(v, lane ^ sh))
    return v[0]


@functools.partial(
    pl.kernel,
    out_type=[
        jax.ShapeDtypeStruct((NW, M), jnp.float32),
        jax.ShapeDtypeStruct((NW, L), jnp.float32),
    ],
    mesh=_mesh,
    scratch_types=[
        pltpu.VMEM((CH,), jnp.float32),
        pltpu.VMEM((CH,), jnp.float32),
        pltpu.VMEM((CH,), jnp.float32),
        pltpu.VMEM((M,), jnp.float32),
        pltpu.VMEM((M,), jnp.float32),
        pltpu.VMEM((M,), jnp.float32),
        pltpu.VMEM((M,), jnp.float32),
        pltpu.VMEM((L,), jnp.float32),
    ],
)
def _stage1(gx_h, gy_h, gz_h, px_h, py_h, pz_h, colmin_h, rowsum_h,
            gx, gy, gz, px, py, pz, colmin, rs_v):
    wid = lax.axis_index("c") * NS + lax.axis_index("s")
    b = wid // GPB
    chunk = wid % GPB
    g0 = chunk * CH

    pltpu.sync_copy(gx_h.at[b, pl.ds(g0, CH)], gx)
    pltpu.sync_copy(gy_h.at[b, pl.ds(g0, CH)], gy)
    pltpu.sync_copy(gz_h.at[b, pl.ds(g0, CH)], gz)
    pltpu.sync_copy(px_h.at[b], px)
    pltpu.sync_copy(py_h.at[b], py)
    pltpu.sync_copy(pz_h.at[b], pz)

    inf_v = jnp.full((L,), jnp.inf, jnp.float32)

    def init_body(j, carry):
        colmin[pl.ds(j * L, L)] = inf_v
        return carry

    lax.fori_loop(0, JB, init_body, jnp.int32(0))

    def group_body(it, rowsum):
        base = it * L
        gxv = gx[pl.ds(base, L)]
        gyv = gy[pl.ds(base, L)]
        gzv = gz[pl.ds(base, L)]
        for kk in range(L // ITILE):
            gs = [(gxv[kk * ITILE + k], gyv[kk * ITILE + k],
                   gzv[kk * ITILE + k]) for k in range(ITILE)]

            def jb_body(j, rms):
                o = j * L
                pxv = px[pl.ds(o, L)]
                pyv = py[pl.ds(o, L)]
                pzv = pz[pl.ds(o, L)]
                cm = colmin[pl.ds(o, L)]
                new_rms = []
                for k in range(ITILE):
                    gxk, gyk, gzk = gs[k]
                    dx = pxv - gxk
                    dy = pyv - gyk
                    dz = pzv - gzk
                    d2 = dx * dx + dy * dy + dz * dz
                    new_rms.append(jnp.minimum(rms[k], d2))
                    cm = jnp.minimum(cm, d2)
                colmin[pl.ds(o, L)] = cm
                return tuple(new_rms)

            rms = lax.fori_loop(0, JB, jb_body,
                                tuple(inf_v for _ in range(ITILE)))
            for k in range(ITILE):
                rowsum = rowsum + _xlane_reduce(rms[k], jnp.minimum)
        return rowsum

    rowsum = lax.fori_loop(0, CH // L, group_body, jnp.float32(0))

    pltpu.sync_copy(colmin, colmin_h.at[wid])
    lane = lax.iota(jnp.int32, L)
    rs_v[...] = jnp.where(lane == 0, rowsum, jnp.float32(0))
    pltpu.sync_copy(rs_v, rowsum_h.at[wid])


@functools.partial(
    pl.kernel,
    out_type=jax.ShapeDtypeStruct((L,), jnp.float32),
    mesh=_mesh,
    scratch_types=[
        pltpu.VMEM((NW, M), jnp.float32),
        pltpu.VMEM((NW, L), jnp.float32),
        pltpu.VMEM((L,), jnp.float32),
    ],
)
def _stage2(colmin_h, rowsum_h, out_h, cm_v, rs_v, o_v):
    wid = lax.axis_index("c") * NS + lax.axis_index("s")

    @pl.when(wid == 0)
    def _():
        pltpu.sync_copy(colmin_h, cm_v)
        pltpu.sync_copy(rowsum_h, rs_v)

        def col_body(t, acc):
            bb = t // JB
            j = t % JB
            o = j * L
            w0 = bb * GPB
            m = cm_v[w0, pl.ds(o, L)]
            m = jnp.minimum(m, cm_v[w0 + 1, pl.ds(o, L)])
            m = jnp.minimum(m, cm_v[w0 + 2, pl.ds(o, L)])
            m = jnp.minimum(m, cm_v[w0 + 3, pl.ds(o, L)])
            return acc + m

        col_acc = lax.fori_loop(0, B * JB, col_body,
                                jnp.zeros((L,), jnp.float32))

        def row_body(w, acc):
            return acc + rs_v[w]

        row_acc = lax.fori_loop(0, NW, row_body, jnp.zeros((L,), jnp.float32))

        total = (_xlane_reduce(col_acc, jnp.add) +
                 _xlane_reduce(row_acc, jnp.add)) * jnp.float32(1.0 / (B * N))
        lane = lax.iota(jnp.int32, L)
        o_v[...] = jnp.where(lane == 0, total, jnp.float32(0))
        pltpu.sync_copy(o_v, out_h)


def kernel(gt, pred):
    gx = jnp.asarray(gt[:, :, 0])
    gy = jnp.asarray(gt[:, :, 1])
    gz = jnp.asarray(gt[:, :, 2])
    px = jnp.asarray(pred[:, :, 0])
    py = jnp.asarray(pred[:, :, 1])
    pz = jnp.asarray(pred[:, :, 2])
    colmin, rowsum = _stage1(gx, gy, gz, px, py, pz)
    out = _stage2(colmin, rowsum)
    return out[0]

# --- scband reference (transcript-rebuilt; emitter-appended) ---
"""Pipeline reference for scband-gccloss-79955111182640 (READ-ONLY COPY).

The authoritative reference and input builder live on the scoring server;
editing this copy changes nothing except your own understanding.
"""

import jax, jax.numpy as jnp
import numpy as np


def setup_inputs(seed: int = 0) -> dict:
    key = jax.random.key(seed)
    k1, k2 = jax.random.split(key)
    gt = jax.random.normal(k1, (8, 2048, 3), dtype=jnp.float32)
    pred = jax.random.normal(k2, (8, 2048, 3), dtype=jnp.float32)
    return {"gt": gt, "pred": pred}


def reference(gt, pred):
    # Chamfer distance (squared L2, as in standard ChamferDistance CUDA kernels)
    # pairwise squared distances: [B, N, M]
    diff = gt[:, :, None, :] - pred[:, None, :, :]
    d2 = jnp.sum(diff * diff, axis=-1)
    dist1 = jnp.min(d2, axis=2)  # for each gt point, nearest pred point
    dist2 = jnp.min(d2, axis=1)  # for each pred point, nearest gt point
    loss = jnp.mean(dist1) + jnp.mean(dist2)
    return loss

if __name__ == "__main__":
    import jax
    _d = setup_inputs()
    print(jax.jit(kernel)(*tuple(_d.values())))

</pallas_src>

<mosaic_0001>
#map = affine_map<(d0, d1) -> (0, 0)>
module attributes {stable_mosaic.version = 14 : i64} {
  func.func @_stage1(%arg0: i32, %arg1: i32, %arg2: memref<8x2048xf32, #tpu.memory_space<hbm>>, %arg3: memref<8x2048xf32, #tpu.memory_space<hbm>>, %arg4: memref<8x2048xf32, #tpu.memory_space<hbm>>, %arg5: memref<8x2048xf32, #tpu.memory_space<hbm>>, %arg6: memref<8x2048xf32, #tpu.memory_space<hbm>>, %arg7: memref<8x2048xf32, #tpu.memory_space<hbm>>, %arg8: memref<32x2048xf32, #tpu.memory_space<hbm>>, %arg9: memref<32x16xf32, #tpu.memory_space<hbm>>, %arg10: memref<512xf32, #tpu.memory_space<vmem>>, %arg11: memref<512xf32, #tpu.memory_space<vmem>>, %arg12: memref<512xf32, #tpu.memory_space<vmem>>, %arg13: memref<2048xf32, #tpu.memory_space<vmem>>, %arg14: memref<2048xf32, #tpu.memory_space<vmem>>, %arg15: memref<2048xf32, #tpu.memory_space<vmem>>, %arg16: memref<2048xf32, #tpu.memory_space<vmem>>, %arg17: memref<16xf32, #tpu.memory_space<vmem>>) attributes {dimension_semantics = [#tpu.dimension_semantics<core_parallel>, #tpu.dimension_semantics<subcore_parallel>], iteration_bounds = array<i64: 2, 16>, scalar_prefetch = 0 : i64, scratch_operands = 8 : i64, tpu.core_type = #tpu.core_type<sc_vector_subcore>, window_params = [{transform_indices = #map}, {transform_indices = #map}, {transform_indices = #map}, {transform_indices = #map}, {transform_indices = #map}, {transform_indices = #map}, {transform_indices = #map}, {transform_indices = #map}]} {
    %mul3A = arith.constant 16 : i32
    %mul3A_0 = arith.muli %arg0, %mul3A : i32
    %add3A = arith.addi %mul3A_0, %arg1 : i32
    %jit3A = arith.constant 4 : i32
    %div3A = arith.divsi %add3A, %jit3A : i32
    %sign3A = arith.constant 0 : i32
    %sign3A_1 = arith.cmpi sgt, %add3A, %sign3A : i32
    %sign3A_2 = arith.extui %sign3A_1 : i1 to i32
    %sign3A_3 = arith.constant 0 : i32
    %sign3A_4 = arith.cmpi slt, %add3A, %sign3A_3 : i32
    %sign3A_5 = arith.extui %sign3A_4 : i1 to i32
    %sign3A_6 = arith.subi %sign3A_2, %sign3A_5 : i32
    %sign3A_7 = arith.constant 0 : i32
    %sign3A_8 = arith.cmpi sgt, %jit3A, %sign3A_7 : i32
    %sign3A_9 = arith.extui %sign3A_8 : i1 to i32
    %sign3A_10 = arith.constant 0 : i32
    %sign3A_11 = arith.cmpi slt, %jit3A, %sign3A_10 : i32
    %sign3A_12 = arith.extui %sign3A_11 : i1 to i32
    %sign3A_13 = arith.subi %sign3A_9, %sign3A_12 : i32
    %ne3A = arith.cmpi ne, %sign3A_6, %sign3A_13 : i32
    %rem3A = arith.remsi %add3A, %jit3A : i32
    %ne3A_14 = arith.constant 0 : i32
    %ne3A_15 = arith.cmpi ne, %rem3A, %ne3A_14 : i32
    %and3A = arith.andi %ne3A, %ne3A_15 : i1
    %sub3A = arith.constant 1 : i32
    %sub3A_16 = arith.subi %div3A, %sub3A : i32
    %select_n3A = arith.select %and3A, %sub3A_16, %div3A : i32
    %jit3A_17 = arith.constant 4 : i32
    %eq3A = arith.constant 0 : i32
    %eq3A_18 = arith.cmpi eq, %jit3A_17, %eq3A : i32
    %jit3A_19 = arith.constant 1 : i32
    %select_n3A_20 = arith.select %eq3A_18, %jit3A_19, %jit3A_17 : i32
    %rem3A_21 = arith.remsi %add3A, %select_n3A_20 : i32
    %ne3A_22 = arith.constant 0 : i32
    %ne3A_23 = arith.cmpi ne, %rem3A_21, %ne3A_22 : i32
    %lt3A = arith.constant 0 : i32
    %lt3A_24 = arith.cmpi slt, %rem3A_21, %lt3A : i32
    %lt3A_25 = arith.constant 0 : i32
    %lt3A_26 = arith.cmpi slt, %select_n3A_20, %lt3A_25 : i32
    %ne3A_27 = arith.xori %lt3A_24, %lt3A_26 : i1
    %and3A_28 = arith.andi %ne3A_27, %ne3A_23 : i1
    %add3A_29 = arith.addi %rem3A_21, %select_n3A_20 : i32
    %select_n3A_30 = arith.select %and3A_28, %add3A_29, %rem3A_21 : i32
    %mul3A_31 = arith.constant 512 : i32
    %mul3A_32 = arith.muli %select_n3A_30, %mul3A_31 : i32
    "tpu.region"() ({
      %run_scoped3A = tpu.sem_alloc : memref<!tpu.dma_semaphore, #tpu.memory_space<semaphore_mem>>
      %dma_start3A = tpu.memref_slice %arg2[%select_n3A, %mul3A_32] : memref<8x2048xf32, #tpu.memory_space<hbm>> -> memref<1x512xf32, #tpu.memory_space<hbm>>
      %dma_start3A_56 = tpu.memref_squeeze %dma_start3A : memref<1x512xf32, #tpu.memory_space<hbm>> -> memref<512xf32, #tpu.memory_space<hbm>>
      %dma_start3A_57 = tpu.memref_slice %arg2[%select_n3A, %mul3A_32] : memref<8x2048xf32, #tpu.memory_space<hbm>> -> memref<1x512xf32, #tpu.memory_space<hbm>>
      %dma_start3A_58 = tpu.memref_squeeze %dma_start3A_57 : memref<1x512xf32, #tpu.memory_space<hbm>> -> memref<512xf32, #tpu.memory_space<hbm>>
      tpu.enqueue_dma source(%dma_start3A_58 : memref<512xf32, #tpu.memory_space<hbm>>) target(%arg10 : memref<512xf32, #tpu.memory_space<vmem>>) target_semaphore(%run_scoped3A : memref<!tpu.dma_semaphore, #tpu.memory_space<semaphore_mem>>)
      %dma_wait3A = tpu.memref_slice %arg2[%select_n3A, %mul3A_32] : memref<8x2048xf32, #tpu.memory_space<hbm>> -> memref<1x512xf32, #tpu.memory_space<hbm>>
      %dma_wait3A_59 = tpu.memref_squeeze %dma_wait3A : memref<1x512xf32, #tpu.memory_space<hbm>> -> memref<512xf32, #tpu.memory_space<hbm>>
      %dma_wait3A_60 = tpu.memref_slice %arg2[%select_n3A, %mul3A_32] : memref<8x2048xf32, #tpu.memory_space<hbm>> -> memref<1x512xf32, #tpu.memory_space<hbm>>
      %dma_wait3A_61 = tpu.memref_squeeze %dma_wait3A_60 : memref<1x512xf32, #tpu.memory_space<hbm>> -> memref<512xf32, #tpu.memory_space<hbm>>
      tpu.wait_dma2 semaphore(%run_scoped3A : memref<!tpu.dma_semaphore, #tpu.memory_space<semaphore_mem>>) src(%dma_wait3A_61 : memref<512xf32, #tpu.memory_space<hbm>>) dst(%arg10 : memref<512xf32, #tpu.memory_space<vmem>>)
      tpu.yield
    }) : () -> ()
    "tpu.region"() ({
      %run_scoped3A = tpu.sem_alloc : memref<!tpu.dma_semaphore, #tpu.memory_space<semaphore_mem>>
      %dma_start3A = tpu.memref_slice %arg3[%select_n3A, %mul3A_32] : memref<8x2048xf32, #tpu.memory_space<hbm>> -> memref<1x512xf32, #tpu.memory_space<hbm>>
      %dma_start3A_56 = tpu.memref_squeeze %dma_start3A : memref<1x512xf32, #tpu.memory_space<hbm>> -> memref<512xf32, #tpu.memory_space<hbm>>
      %dma_start3A_57 = tpu.memref_slice %arg3[%select_n3A, %mul3A_32] : memref<8x2048xf32, #tpu.memory_space<hbm>> -> memref<1x512xf32, #tpu.memory_space<hbm>>
      %dma_start3A_58 = tpu.memref_squeeze %dma_start3A_57 : memref<1x512xf32, #tpu.memory_space<hbm>> -> memref<512xf32, #tpu.memory_space<hbm>>
      tpu.enqueue_dma source(%dma_start3A_58 : memref<512xf32, #tpu.memory_space<hbm>>) target(%arg11 : memref<512xf32, #tpu.memory_space<vmem>>) target_semaphore(%run_scoped3A : memref<!tpu.dma_semaphore, #tpu.memory_space<semaphore_mem>>)
      %dma_wait3A = tpu.memref_slice %arg3[%select_n3A, %mul3A_32] : memref<8x2048xf32, #tpu.memory_space<hbm>> -> memref<1x512xf32, #tpu.memory_space<hbm>>
      %dma_wait3A_59 = tpu.memref_squeeze %dma_wait3A : memref<1x512xf32, #tpu.memory_space<hbm>> -> memref<512xf32, #tpu.memory_space<hbm>>
      %dma_wait3A_60 = tpu.memref_slice %arg3[%select_n3A, %mul3A_32] : memref<8x2048xf32, #tpu.memory_space<hbm>> -> memref<1x512xf32, #tpu.memory_space<hbm>>
      %dma_wait3A_61 = tpu.memref_squeeze %dma_wait3A_60 : memref<1x512xf32, #tpu.memory_space<hbm>> -> memref<512xf32, #tpu.memory_space<hbm>>
      tpu.wait_dma2 semaphore(%run_scoped3A : memref<!tpu.dma_semaphore, #tpu.memory_space<semaphore_mem>>) src(%dma_wait3A_61 : memref<512xf32, #tpu.memory_space<hbm>>) dst(%arg11 : memref<512xf32, #tpu.memory_space<vmem>>)
      tpu.yield
    }) : () -> ()
    "tpu.region"() ({
      %run_scoped3A = tpu.sem_alloc : memref<!tpu.dma_semaphore, #tpu.memory_space<semaphore_mem>>
      %dma_start3A = tpu.memref_slice %arg4[%select_n3A, %mul3A_32] : memref<8x2048xf32, #tpu.memory_space<hbm>> -> memref<1x512xf32, #tpu.memory_space<hbm>>
      %dma_start3A_56 = tpu.memref_squeeze %dma_start3A : memref<1x512xf32, #tpu.memory_space<hbm>> -> memref<512xf32, #tpu.memory_space<hbm>>
      %dma_start3A_57 = tpu.memref_slice %arg4[%select_n3A, %mul3A_32] : memref<8x2048xf32, #tpu.memory_space<hbm>> -> memref<1x512xf32, #tpu.memory_space<hbm>>
      %dma_start3A_58 = tpu.memref_squeeze %dma_start3A_57 : memref<1x512xf32, #tpu.memory_space<hbm>> -> memref<512xf32, #tpu.memory_space<hbm>>
      tpu.enqueue_dma source(%dma_start3A_58 : memref<512xf32, #tpu.memory_space<hbm>>) target(%arg12 : memref<512xf32, #tpu.memory_space<vmem>>) target_semaphore(%run_scoped3A : memref<!tpu.dma_semaphore, #tpu.memory_space<semaphore_mem>>)
      %dma_wait3A = tpu.memref_slice %arg4[%select_n3A, %mul3A_32] : memref<8x2048xf32, #tpu.memory_space<hbm>> -> memref<1x512xf32, #tpu.memory_space<hbm>>
      %dma_wait3A_59 = tpu.memref_squeeze %dma_wait3A : memref<1x512xf32, #tpu.memory_space<hbm>> -> memref<512xf32, #tpu.memory_space<hbm>>
      %dma_wait3A_60 = tpu.memref_slice %arg4[%select_n3A, %mul3A_32] : memref<8x2048xf32, #tpu.memory_space<hbm>> -> memref<1x512xf32, #tpu.memory_space<hbm>>
      %dma_wait3A_61 = tpu.memref_squeeze %dma_wait3A_60 : memref<1x512xf32, #tpu.memory_space<hbm>> -> memref<512xf32, #tpu.memory_space<hbm>>
      tpu.wait_dma2 semaphore(%run_scoped3A : memref<!tpu.dma_semaphore, #tpu.memory_space<semaphore_mem>>) src(%dma_wait3A_61 : memref<512xf32, #tpu.memory_space<hbm>>) dst(%arg12 : memref<512xf32, #tpu.memory_space<vmem>>)
      tpu.yield
    }) : () -> ()
    "tpu.region"() ({
      %run_scoped3A = tpu.sem_alloc : memref<!tpu.dma_semaphore, #tpu.memory_space<semaphore_mem>>
      %dma_start3A = arith.constant 0 : i32
      %dma_start3A_56 = tpu.memref_slice %arg5[%select_n3A, %dma_start3A] : memref<8x2048xf32, #tpu.memory_space<hbm>> -> memref<1x2048xf32, #tpu.memory_space<hbm>>
      %dma_start3A_57 = tpu.memref_squeeze %dma_start3A_56 : memref<1x2048xf32, #tpu.memory_space<hbm>> -> memref<2048xf32, #tpu.memory_space<hbm>>
      %dma_start3A_58 = arith.constant 0 : i32
      %dma_start3A_59 = tpu.memref_slice %arg5[%select_n3A, %dma_start3A_58] : memref<8x2048xf32, #tpu.memory_space<hbm>> -> memref<1x2048xf32, #tpu.memory_space<hbm>>
      %dma_start3A_60 = tpu.memref_squeeze %dma_start3A_59 : memref<1x2048xf32, #tpu.memory_space<hbm>> -> memref<2048xf32, #tpu.memory_space<hbm>>
      tpu.enqueue_dma source(%dma_start3A_60 : memref<2048xf32, #tpu.memory_space<hbm>>) target(%arg13 : memref<2048xf32, #tpu.memory_space<vmem>>) target_semaphore(%run_scoped3A : memref<!tpu.dma_semaphore, #tpu.memory_space<semaphore_mem>>)
      %dma_wait3A = arith.constant 0 : i32
      %dma_wait3A_61 = tpu.memref_slice %arg5[%select_n3A, %dma_wait3A] : memref<8x2048xf32, #tpu.memory_space<hbm>> -> memref<1x2048xf32, #tpu.memory_space<hbm>>
      %dma_wait3A_62 = tpu.memref_squeeze %dma_wait3A_61 : memref<1x2048xf32, #tpu.memory_space<hbm>> -> memref<2048xf32, #tpu.memory_space<hbm>>
      %dma_wait3A_63 = arith.constant 0 : i32
      %dma_wait3A_64 = tpu.memref_slice %arg5[%select_n3A, %dma_wait3A_63] : memref<8x2048xf32, #tpu.memory_space<hbm>> -> memref<1x2048xf32, #tpu.memory_space<hbm>>
      %dma_wait3A_65 = tpu.memref_squeeze %dma_wait3A_64 : memref<1x2048xf32, #tpu.memory_space<hbm>> -> memref<2048xf32, #tpu.memory_space<hbm>>
      tpu.wait_dma2 semaphore(%run_scoped3A : memref<!tpu.dma_semaphore, #tpu.memory_space<semaphore_mem>>) src(%dma_wait3A_65 : memref<2048xf32, #tpu.memory_space<hbm>>) dst(%arg13 : memref<2048xf32, #tpu.memory_space<vmem>>)
      tpu.yield
    }) : () -> ()
    "tpu.region"() ({
      %run_scoped3A = tpu.sem_alloc : memref<!tpu.dma_semaphore, #tpu.memory_space<semaphore_mem>>
      %dma_start3A = arith.constant 0 : i32
      %dma_start3A_56 = tpu.memref_slice %arg6[%select_n3A, %dma_start3A] : memref<8x2048xf32, #tpu.memory_space<hbm>> -> memref<1x2048xf32, #tpu.memory_space<hbm>>
      %dma_start3A_57 = tpu.memref_squeeze %dma_start3A_56 : memref<1x2048xf32, #tpu.memory_space<hbm>> -> memref<2048xf32, #tpu.memory_space<hbm>>
      %dma_start3A_58 = arith.constant 0 : i32
      %dma_start3A_59 = tpu.memref_slice %arg6[%select_n3A, %dma_start3A_58] : memref<8x2048xf32, #tpu.memory_space<hbm>> -> memref<1x2048xf32, #tpu.memory_space<hbm>>
      %dma_start3A_60 = tpu.memref_squeeze %dma_start3A_59 : memref<1x2048xf32, #tpu.memory_space<hbm>> -> memref<2048xf32, #tpu.memory_space<hbm>>
      tpu.enqueue_dma source(%dma_start3A_60 : memref<2048xf32, #tpu.memory_space<hbm>>) target(%arg14 : memref<2048xf32, #tpu.memory_space<vmem>>) target_semaphore(%run_scoped3A : memref<!tpu.dma_semaphore, #tpu.memory_space<semaphore_mem>>)
      %dma_wait3A = arith.constant 0 : i32
      %dma_wait3A_61 = tpu.memref_slice %arg6[%select_n3A, %dma_wait3A] : memref<8x2048xf32, #tpu.memory_space<hbm>> -> memref<1x2048xf32, #tpu.memory_space<hbm>>
      %dma_wait3A_62 = tpu.memref_squeeze %dma_wait3A_61 : memref<1x2048xf32, #tpu.memory_space<hbm>> -> memref<2048xf32, #tpu.memory_space<hbm>>
      %dma_wait3A_63 = arith.constant 0 : i32
      %dma_wait3A_64 = tpu.memref_slice %arg6[%select_n3A, %dma_wait3A_63] : memref<8x2048xf32, #tpu.memory_space<hbm>> -> memref<1x2048xf32, #tpu.memory_space<hbm>>
      %dma_wait3A_65 = tpu.memref_squeeze %dma_wait3A_64 : memref<1x2048xf32, #tpu.memory_space<hbm>> -> memref<2048xf32, #tpu.memory_space<hbm>>
      tpu.wait_dma2 semaphore(%run_scoped3A : memref<!tpu.dma_semaphore, #tpu.memory_space<semaphore_mem>>) src(%dma_wait3A_65 : memref<2048xf32, #tpu.memory_space<hbm>>) dst(%arg14 : memref<2048xf32, #tpu.memory_space<vmem>>)
      tpu.yield
    }) : () -> ()
    "tpu.region"() ({
      %run_scoped3A = tpu.sem_alloc : memref<!tpu.dma_semaphore, #tpu.memory_space<semaphore_mem>>
      %dma_start3A = arith.constant 0 : i32
      %dma_start3A_56 = tpu.memref_slice %arg7[%select_n3A, %dma_start3A] : memref<8x2048xf32, #tpu.memory_space<hbm>> -> memref<1x2048xf32, #tpu.memory_space<hbm>>
      %dma_start3A_57 = tpu.memref_squeeze %dma_start3A_56 : memref<1x2048xf32, #tpu.memory_space<hbm>> -> memref<2048xf32, #tpu.memory_space<hbm>>
      %dma_start3A_58 = arith.constant 0 : i32
      %dma_start3A_59 = tpu.memref_slice %arg7[%select_n3A, %dma_start3A_58] : memref<8x2048xf32, #tpu.memory_space<hbm>> -> memref<1x2048xf32, #tpu.memory_space<hbm>>
      %dma_start3A_60 = tpu.memref_squeeze %dma_start3A_59 : memref<1x2048xf32, #tpu.memory_space<hbm>> -> memref<2048xf32, #tpu.memory_space<hbm>>
      tpu.enqueue_dma source(%dma_start3A_60 : memref<2048xf32, #tpu.memory_space<hbm>>) target(%arg15 : memref<2048xf32, #tpu.memory_space<vmem>>) target_semaphore(%run_scoped3A : memref<!tpu.dma_semaphore, #tpu.memory_space<semaphore_mem>>)
      %dma_wait3A = arith.constant 0 : i32
      %dma_wait3A_61 = tpu.memref_slice %arg7[%select_n3A, %dma_wait3A] : memref<8x2048xf32, #tpu.memory_space<hbm>> -> memref<1x2048xf32, #tpu.memory_space<hbm>>
      %dma_wait3A_62 = tpu.memref_squeeze %dma_wait3A_61 : memref<1x2048xf32, #tpu.memory_space<hbm>> -> memref<2048xf32, #tpu.memory_space<hbm>>
      %dma_wait3A_63 = arith.constant 0 : i32
      %dma_wait3A_64 = tpu.memref_slice %arg7[%select_n3A, %dma_wait3A_63] : memref<8x2048xf32, #tpu.memory_space<hbm>> -> memref<1x2048xf32, #tpu.memory_space<hbm>>
      %dma_wait3A_65 = tpu.memref_squeeze %dma_wait3A_64 : memref<1x2048xf32, #tpu.memory_space<hbm>> -> memref<2048xf32, #tpu.memory_space<hbm>>
      tpu.wait_dma2 semaphore(%run_scoped3A : memref<!tpu.dma_semaphore, #tpu.memory_space<semaphore_mem>>) src(%dma_wait3A_65 : memref<2048xf32, #tpu.memory_space<hbm>>) dst(%arg15 : memref<2048xf32, #tpu.memory_space<vmem>>)
      tpu.yield
    }) : () -> ()
    %broadcast_in_dim3A = arith.constant 0x7F800000 : f32
    %broadcast_in_dim3A_33 = vector.broadcast %broadcast_in_dim3A : f32 to vector<16xf32>
    %scan3A = arith.constant 0 : i32
    %scan3A_34 = arith.constant 0 : i32
    %scan3A_35 = arith.constant 128 : i32
    %scan3A_36 = arith.addi %scan3A_34, %scan3A_35 : i32
    %scan3A_37 = arith.constant 1 : i32
    scf.for %scan3A_56 = %scan3A_34 to %scan3A_36 step %scan3A_37  : i32 {
      %mul3A_57 = arith.constant 16 : i32
      %mul3A_58 = arith.muli %scan3A_56, %mul3A_57 : i32
      %swap3A_59 = arith.index_cast %mul3A_58 : i32 to index
      %swap3A_60 = tpu.vector_load %arg16[%swap3A_59] {strides = array<i32>} : memref<2048xf32, #tpu.memory_space<vmem>>, vector<16xf32>,
      %swap3A_61 = vector.shape_cast %swap3A_60 : vector<16xf32> to vector<16xf32>
      %swap3A_62 = vector.shape_cast %broadcast_in_dim3A_33 : vector<16xf32> to vector<16xf32>
      tpu.vector_store %arg16[%swap3A_59], %swap3A_62 {strides = array<i32>} : memref<2048xf32, #tpu.memory_space<vmem>>, vector<16xf32>,
    }
    %scan3A_38 = arith.constant 128 : i32
    %scan3A_39 = arith.constant 0.000000e+00 : f32
    %scan3A_40 = arith.constant 0 : i32
    %scan3A_41 = arith.constant 32 : i32
    %scan3A_42 = arith.addi %scan3A_40, %scan3A_41 : i32
    %scan3A_43 = arith.constant 1 : i32
    %scan3A_44 = scf.for %scan3A_56 = %scan3A_40 to %scan3A_42 step %scan3A_43 iter_args(%scan3A_57 = %scan3A_39) -> (f32)  : i32 {
      %mul3A_58 = arith.constant 16 : i32
      %mul3A_59 = arith.muli %scan3A_56, %mul3A_58 : i32
      %get3A = arith.index_cast %mul3A_59 : i32 to index
      %get3A_60 = tpu.vector_load %arg10[%get3A] {strides = array<i32>} : memref<512xf32, #tpu.memory_space<vmem>>, vector<16xf32>,
      %get3A_61 = vector.shape_cast %get3A_60 : vector<16xf32> to vector<16xf32>
      %get3A_62 = arith.index_cast %mul3A_59 : i32 to index
      %get3A_63 = tpu.vector_load %arg11[%get3A_62] {strides = array<i32>} : memref<512xf32, #tpu.memory_space<vmem>>, vector<16xf32>,
      %get3A_64 = vector.shape_cast %get3A_63 : vector<16xf32> to vector<16xf32>
      %get3A_65 = arith.index_cast %mul3A_59 : i32 to index
      %get3A_66 = tpu.vector_load %arg12[%get3A_65] {strides = array<i32>} : memref<512xf32, #tpu.memory_space<vmem>>, vector<16xf32>,
      %get3A_67 = vector.shape_cast %get3A_66 : vector<16xf32> to vector<16xf32>
      %slice3A = vector.extract_strided_slice %get3A_61 {offsets = [0], sizes = [1], strides = [1]} : vector<16xf32> to vector<1xf32>
      %squeeze3A = vector.extract %slice3A[0] : f32 from vector<1xf32>
      %slice3A_68 = vector.extract_strided_slice %get3A_64 {offsets = [0], sizes = [1], strides = [1]} : vector<16xf32> to vector<1xf32>
      %squeeze3A_69 = vector.extract %slice3A_68[0] : f32 from vector<1xf32>
      %slice3A_70 = vector.extract_strided_slice %get3A_67 {offsets = [0], sizes = [1], strides = [1]} : vector<16xf32> to vector<1xf32>
      %squeeze3A_71 = vector.extract %slice3A_70[0] : f32 from vector<1xf32>
      %slice3A_72 = vector.extract_strided_slice %get3A_61 {offsets = [1], sizes = [1], strides = [1]} : vector<16xf32> to vector<1xf32>
      %squeeze3A_73 = vector.extract %slice3A_72[0] : f32 from vector<1xf32>
      %slice3A_74 = vector.extract_strided_slice %get3A_64 {offsets = [1], sizes = [1], strides = [1]} : vector<16xf32> to vector<1xf32>
      %squeeze3A_75 = vector.extract %slice3A_74[0] : f32 from vector<1xf32>
      %slice3A_76 = vector.extract_strided_slice %get3A_67 {offsets = [1], sizes = [1], strides = [1]} : vector<16xf32> to vector<1xf32>
      %squeeze3A_77 = vector.extract %slice3A_76[0] : f32 from vector<1xf32>
      %slice3A_78 = vector.extract_strided_slice %get3A_61 {offsets = [2], sizes = [1], strides = [1]} : vector<16xf32> to vector<1xf32>
      %squeeze3A_79 = vector.extract %slice3A_78[0] : f32 from vector<1xf32>
      %slice3A_80 = vector.extract_strided_slice %get3A_64 {offsets = [2], sizes = [1], strides = [1]} : vector<16xf32> to vector<1xf32>
      %squeeze3A_81 = vector.extract %slice3A_80[0] : f32 from vector<1xf32>
      %slice3A_82 = vector.extract_strided_slice %get3A_67 {offsets = [2], sizes = [1], strides = [1]} : vector<16xf32> to vector<1xf32>
      %squeeze3A_83 = vector.extract %slice3A_82[0] : f32 from vector<1xf32>
      %slice3A_84 = vector.extract_strided_slice %get3A_61 {offsets = [3], sizes = [1], strides = [1]} : vector<16xf32> to vector<1xf32>
      %squeeze3A_85 = vector.extract %slice3A_84[0] : f32 from vector<1xf32>
      %slice3A_86 = vector.extract_strided_slice %get3A_64 {offsets = [3], sizes = [1], strides = [1]} : vector<16xf32> to vector<1xf32>
      %squeeze3A_87 = vector.extract %slice3A_86[0] : f32 from vector<1xf32>
      %slice3A_88 = vector.extract_strided_slice %get3A_67 {offsets = [3], sizes = [1], strides = [1]} : vector<16xf32> to vector<1xf32>
      %squeeze3A_89 = vector.extract %slice3A_88[0] : f32 from vector<1xf32>
      %slice3A_90 = vector.extract_strided_slice %get3A_61 {offsets = [4], sizes = [1], strides = [1]} : vector<16xf32> to vector<1xf32>
      %squeeze3A_91 = vector.extract %slice3A_90[0] : f32 from vector<1xf32>
      %slice3A_92 = vector.extract_strided_slice %get3A_64 {offsets = [4], sizes = [1], strides = [1]} : vector<16xf32> to vector<1xf32>
      %squeeze3A_93 = vector.extract %slice3A_92[0] : f32 from vector<1xf32>
      %slice3A_94 = vector.extract_strided_slice %get3A_67 {offsets = [4], sizes = [1], strides = [1]} : vector<16xf32> to vector<1xf32>
      %squeeze3A_95 = vector.extract %slice3A_94[0] : f32 from vector<1xf32>
      %slice3A_96 = vector.extract_strided_slice %get3A_61 {offsets = [5], sizes = [1], strides = [1]} : vector<16xf32> to vector<1xf32>
      %squeeze3A_97 = vector.extract %slice3A_96[0] : f32 from vector<1xf32>
      %slice3A_98 = vector.extract_strided_slice %get3A_64 {offsets = [5], sizes = [1], strides = [1]} : vector<16xf32> to vector<1xf32>
      %squeeze3A_99 = vector.extract %slice3A_98[0] : f32 from vector<1xf32>
      %slice3A_100 = vector.extract_strided_slice %get3A_67 {offsets = [5], sizes = [1], strides = [1]} : vector<16xf32> to vector<1xf32>
      %squeeze3A_101 = vector.extract %slice3A_100[0] : f32 from vector<1xf32>
      %slice3A_102 = vector.extract_strided_slice %get3A_61 {offsets = [6], sizes = [1], strides = [1]} : vector<16xf32> to vector<1xf32>
      %squeeze3A_103 = vector.extract %slice3A_102[0] : f32 from vector<1xf32>
      %slice3A_104 = vector.extract_strided_slice %get3A_64 {offsets = [6], sizes = [1], strides = [1]} : vector<16xf32> to vector<1xf32>
      %squeeze3A_105 = vector.extract %slice3A_104[0] : f32 from vector<1xf32>
      %slice3A_106 = vector.extract_strided_slice %get3A_67 {offsets = [6], sizes = [1], strides = [1]} : vector<16xf32> to vector<1xf32>
      %squeeze3A_107 = vector.extract %slice3A_106[0] : f32 from vector<1xf32>
      %slice3A_108 = vector.extract_strided_slice %get3A_61 {offsets = [7], sizes = [1], strides = [1]} : vector<16xf32> to vector<1xf32>
      %squeeze3A_109 = vector.extract %slice3A_108[0] : f32 from vector<1xf32>
      %slice3A_110 = vector.extract_strided_slice %get3A_64 {offsets = [7], sizes = [1], strides = [1]} : vector<16xf32> to vector<1xf32>
      %squeeze3A_111 = vector.extract %slice3A_110[0] : f32 from vector<1xf32>
      %slice3A_112 = vector.extract_strided_slice %get3A_67 {offsets = [7], sizes = [1], strides = [1]} : vector<16xf32> to vector<1xf32>
      %squeeze3A_113 = vector.extract %slice3A_112[0] : f32 from vector<1xf32>
      %slice3A_114 = vector.extract_strided_slice %get3A_61 {offsets = [8], sizes = [1], strides = [1]} : vector<16xf32> to vector<1xf32>
      %squeeze3A_115 = vector.extract %slice3A_114[0] : f32 from vector<1xf32>
      %slice3A_116 = vector.extract_strided_slice %get3A_64 {offsets = [8], sizes = [1], strides = [1]} : vector<16xf32> to vector<1xf32>
      %squeeze3A_117 = vector.extract %slice3A_116[0] : f32 from vector<1xf32>
      %slice3A_118 = vector.extract_strided_slice %get3A_67 {offsets = [8], sizes = [1], strides = [1]} : vector<16xf32> to vector<1xf32>
      %squeeze3A_119 = vector.extract %slice3A_118[0] : f32 from vector<1xf32>
      %slice3A_120 = vector.extract_strided_slice %get3A_61 {offsets = [9], sizes = [1], strides = [1]} : vector<16xf32> to vector<1xf32>
      %squeeze3A_121 = vector.extract %slice3A_120[0] : f32 from vector<1xf32>
      %slice3A_122 = vector.extract_strided_slice %get3A_64 {offsets = [9], sizes = [1], strides = [1]} : vector<16xf32> to vector<1xf32>
      %squeeze3A_123 = vector.extract %slice3A_122[0] : f32 from vector<1xf32>
      %slice3A_124 = vector.extract_strided_slice %get3A_67 {offsets = [9], sizes = [1], strides = [1]} : vector<16xf32> to vector<1xf32>
      %squeeze3A_125 = vector.extract %slice3A_124[0] : f32 from vector<1xf32>
      %slice3A_126 = vector.extract_strided_slice %get3A_61 {offsets = [10], sizes = [1], strides = [1]} : vector<16xf32> to vector<1xf32>
      %squeeze3A_127 = vector.extract %slice3A_126[0] : f32 from vector<1xf32>
      %slice3A_128 = vector.extract_strided_slice %get3A_64 {offsets = [10], sizes = [1], strides = [1]} : vector<16xf32> to vector<1xf32>
      %squeeze3A_129 = vector.extract %slice3A_128[0] : f32 from vector<1xf32>
      %slice3A_130 = vector.extract_strided_slice %get3A_67 {offsets = [10], sizes = [1], strides = [1]} : vector<16xf32> to vector<1xf32>
      %squeeze3A_131 = vector.extract %slice3A_130[0] : f32 from vector<1xf32>
      %slice3A_132 = vector.extract_strided_slice %get3A_61 {offsets = [11], sizes = [1], strides = [1]} : vector<16xf32> to vector<1xf32>
      %squeeze3A_133 = vector.extract %slice3A_132[0] : f32 from vector<1xf32>
      %slice3A_134 = vector.extract_strided_slice %get3A_64 {offsets = [11], sizes = [1], strides = [1]} : vector<16xf32> to vector<1xf32>
      %squeeze3A_135 = vector.extract %slice3A_134[0] : f32 from vector<1xf32>
      %slice3A_136 = vector.extract_strided_slice %get3A_67 {offsets = [11], sizes = [1], strides = [1]} : vector<16xf32> to vector<1xf32>
      %squeeze3A_137 = vector.extract %slice3A_136[0] : f32 from vector<1xf32>
      %slice3A_138 = vector.extract_strided_slice %get3A_61 {offsets = [12], sizes = [1], strides = [1]} : vector<16xf32> to vector<1xf32>
      %squeeze3A_139 = vector.extract %slice3A_138[0] : f32 from vector<1xf32>
      %slice3A_140 = vector.extract_strided_slice %get3A_64 {offsets = [12], sizes = [1], strides = [1]} : vector<16xf32> to vector<1xf32>
      %squeeze3A_141 = vector.extract %slice3A_140[0] : f32 from vector<1xf32>
      %slice3A_142 = vector.extract_strided_slice %get3A_67 {offsets = [12], sizes = [1], strides = [1]} : vector<16xf32> to vector<1xf32>
      %squeeze3A_143 = vector.extract %slice3A_142[0] : f32 from vector<1xf32>
      %slice3A_144 = vector.extract_strided_slice %get3A_61 {offsets = [13], sizes = [1], strides = [1]} : vector<16xf32> to vector<1xf32>
      %squeeze3A_145 = vector.extract %slice3A_144[0] : f32 from vector<1xf32>
      %slice3A_146 = vector.extract_strided_slice %get3A_64 {offsets = [13], sizes = [1], strides = [1]} : vector<16xf32> to vector<1xf32>
      %squeeze3A_147 = vector.extract %slice3A_146[0] : f32 from vector<1xf32>
      %slice3A_148 = vector.extract_strided_slice %get3A_67 {offsets = [13], sizes = [1], strides = [1]} : vector<16xf32> to vector<1xf32>
      %squeeze3A_149 = vector.extract %slice3A_148[0] : f32 from vector<1xf32>
      %slice3A_150 = vector.extract_strided_slice %get3A_61 {offsets = [14], sizes = [1], strides = [1]} : vector<16xf32> to vector<1xf32>
      %squeeze3A_151 = vector.extract %slice3A_150[0] : f32 from vector<1xf32>
      %slice3A_152 = vector.extract_strided_slice %get3A_64 {offsets = [14], sizes = [1], strides = [1]} : vector<16xf32> to vector<1xf32>
      %squeeze3A_153 = vector.extract %slice3A_152[0] : f32 from vector<1xf32>
      %slice3A_154 = vector.extract_strided_slice %get3A_67 {offsets = [14], sizes = [1], strides = [1]} : vector<16xf32> to vector<1xf32>
      %squeeze3A_155 = vector.extract %slice3A_154[0] : f32 from vector<1xf32>
      %slice3A_156 = vector.extract_strided_slice %get3A_61 {offsets = [15], sizes = [1], strides = [1]} : vector<16xf32> to vector<1xf32>
      %squeeze3A_157 = vector.extract %slice3A_156[0] : f32 from vector<1xf32>
      %slice3A_158 = vector.extract_strided_slice %get3A_64 {offsets = [15], sizes = [1], strides = [1]} : vector<16xf32> to vector<1xf32>
      %squeeze3A_159 = vector.extract %slice3A_158[0] : f32 from vector<1xf32>
      %slice3A_160 = vector.extract_strided_slice %get3A_67 {offsets = [15], sizes = [1], strides = [1]} : vector<16xf32> to vector<1xf32>
      %squeeze3A_161 = vector.extract %slice3A_160[0] : f32 from vector<1xf32>
      %scan3A_162 = arith.constant 0 : i32
      %scan3A_163 = arith.constant 128 : i32
      %scan3A_164 = arith.addi %scan3A_162, %scan3A_163 : i32
      %scan3A_165 = arith.constant 1 : i32
      %scan3A_166:16 = scf.for %scan3A_677 = %scan3A_162 to %scan3A_164 step %scan3A_165 iter_args(%scan3A_678 = %broadcast_in_dim3A_33, %scan3A_679 = %broadcast_in_dim3A_33, %scan3A_680 = %broadcast_in_dim3A_33, %scan3A_681 = %broadcast_in_dim3A_33, %scan3A_682 = %broadcast_in_dim3A_33, %scan3A_683 = %broadcast_in_dim3A_33, %scan3A_684 = %broadcast_in_dim3A_33, %scan3A_685 = %broadcast_in_dim3A_33, %scan3A_686 = %broadcast_in_dim3A_33, %scan3A_687 = %broadcast_in_dim3A_33, %scan3A_688 = %broadcast_in_dim3A_33, %scan3A_689 = %broadcast_in_dim3A_33, %scan3A_690 = %broadcast_in_dim3A_33, %scan3A_691 = %broadcast_in_dim3A_33, %scan3A_692 = %broadcast_in_dim3A_33, %scan3A_693 = %broadcast_in_dim3A_33) -> (vector<16xf32>, vector<16xf32>, vector<16xf32>, vector<16xf32>, vector<16xf32>, vector<16xf32>, vector<16xf32>, vector<16xf32>, vector<16xf32>, vector<16xf32>, vector<16xf32>, vector<16xf32>, vector<16xf32>, vector<16xf32>, vector<16xf32>, vector<16xf32>)  : i32 {
        %mul3A_694 = arith.constant 16 : i32
        %mul3A_695 = arith.muli %scan3A_677, %mul3A_694 : i32
        %get3A_696 = arith.index_cast %mul3A_695 : i32 to index
        %get3A_697 = tpu.vector_load %arg13[%get3A_696] {strides = array<i32>} : memref<2048xf32, #tpu.memory_space<vmem>>, vector<16xf32>,
        %get3A_698 = vector.shape_cast %get3A_697 : vector<16xf32> to vector<16xf32>
        %get3A_699 = arith.index_cast %mul3A_695 : i32 to index
        %get3A_700 = tpu.vector_load %arg14[%get3A_699] {strides = array<i32>} : memref<2048xf32, #tpu.memory_space<vmem>>, vector<16xf32>,
        %get3A_701 = vector.shape_cast %get3A_700 : vector<16xf32> to vector<16xf32>
        %get3A_702 = arith.index_cast %mul3A_695 : i32 to index
        %get3A_703 = tpu.vector_load %arg15[%get3A_702] {strides = array<i32>} : memref<2048xf32, #tpu.memory_space<vmem>>, vector<16xf32>,
        %get3A_704 = vector.shape_cast %get3A_703 : vector<16xf32> to vector<16xf32>
        %get3A_705 = arith.index_cast %mul3A_695 : i32 to index
        %get3A_706 = tpu.vector_load %arg16[%get3A_705] {strides = array<i32>} : memref<2048xf32, #tpu.memory_space<vmem>>, vector<16xf32>,
        %get3A_707 = vector.shape_cast %get3A_706 : vector<16xf32> to vector<16xf32>
        %sub3A_708 = vector.broadcast %squeeze3A : f32 to vector<16xf32>
        %sub3A_709 = arith.subf %get3A_698, %sub3A_708 : vector<16xf32>
        %sub3A_710 = vector.broadcast %squeeze3A_69 : f32 to vector<16xf32>
        %sub3A_711 = arith.subf %get3A_701, %sub3A_710 : vector<16xf32>
        %sub3A_712 = vector.broadcast %squeeze3A_71 : f32 to vector<16xf32>
        %sub3A_713 = arith.subf %get3A_704, %sub3A_712 : vector<16xf32>
        %mul3A_714 = arith.mulf %sub3A_709, %sub3A_709 : vector<16xf32>
        %mul3A_715 = arith.mulf %sub3A_711, %sub3A_711 : vector<16xf32>
        %add3A_716 = arith.addf %mul3A_714, %mul3A_715 : vector<16xf32>
        %mul3A_717 = arith.mulf %sub3A_713, %sub3A_713 : vector<16xf32>
        %add3A_718 = arith.addf %add3A_716, %mul3A_717 : vector<16xf32>
        %min3A_719 = arith.minimumf %scan3A_678, %add3A_718 : vector<16xf32>
        %min3A_720 = arith.minimumf %get3A_707, %add3A_718 : vector<16xf32>
        %sub3A_721 = vector.broadcast %squeeze3A_73 : f32 to vector<16xf32>
        %sub3A_722 = arith.subf %get3A_698, %sub3A_721 : vector<16xf32>
        %sub3A_723 = vector.broadcast %squeeze3A_75 : f32 to vector<16xf32>
        %sub3A_724 = arith.subf %get3A_701, %sub3A_723 : vector<16xf32>
        %sub3A_725 = vector.broadcast %squeeze3A_77 : f32 to vector<16xf32>
        %sub3A_726 = arith.subf %get3A_704, %sub3A_725 : vector<16xf32>
        %mul3A_727 = arith.mulf %sub3A_722, %sub3A_722 : vector<16xf32>
        %mul3A_728 = arith.mulf %sub3A_724, %sub3A_724 : vector<16xf32>
        %add3A_729 = arith.addf %mul3A_727, %mul3A_728 : vector<16xf32>
        %mul3A_730 = arith.mulf %sub3A_726, %sub3A_726 : vector<16xf32>
        %add3A_731 = arith.addf %add3A_729, %mul3A_730 : vector<16xf32>
        %min3A_732 = arith.minimumf %scan3A_679, %add3A_731 : vector<16xf32>
        %min3A_733 = arith.minimumf %min3A_720, %add3A_731 : vector<16xf32>
        %sub3A_734 = vector.broadcast %squeeze3A_79 : f32 to vector<16xf32>
        %sub3A_735 = arith.subf %get3A_698, %sub3A_734 : vector<16xf32>
        %sub3A_736 = vector.broadcast %squeeze3A_81 : f32 to vector<16xf32>
        %sub3A_737 = arith.subf %get3A_701, %sub3A_736 : vector<16xf32>
        %sub3A_738 = vector.broadcast %squeeze3A_83 : f32 to vector<16xf32>
        %sub3A_739 = arith.subf %get3A_704, %sub3A_738 : vector<16xf32>
        %mul3A_740 = arith.mulf %sub3A_735, %sub3A_735 : vector<16xf32>
        %mul3A_741 = arith.mulf %sub3A_737, %sub3A_737 : vector<16xf32>
        %add3A_742 = arith.addf %mul3A_740, %mul3A_741 : vector<16xf32>
        %mul3A_743 = arith.mulf %sub3A_739, %sub3A_739 : vector<16xf32>
        %add3A_744 = arith.addf %add3A_742, %mul3A_743 : vector<16xf32>
        %min3A_745 = arith.minimumf %scan3A_680, %add3A_744 : vector<16xf32>
        %min3A_746 = arith.minimumf %min3A_733, %add3A_744 : vector<16xf32>
        %sub3A_747 = vector.broadcast %squeeze3A_85 : f32 to vector<16xf32>
        %sub3A_748 = arith.subf %get3A_698, %sub3A_747 : vector<16xf32>
        %sub3A_749 = vector.broadcast %squeeze3A_87 : f32 to vector<16xf32>
        %sub3A_750 = arith.subf %get3A_701, %sub3A_749 : vector<16xf32>
        %sub3A_751 = vector.broadcast %squeeze3A_89 : f32 to vector<16xf32>
        %sub3A_752 = arith.subf %get3A_704, %sub3A_751 : vector<16xf32>
        %mul3A_753 = arith.mulf %sub3A_748, %sub3A_748 : vector<16xf32>
        %mul3A_754 = arith.mulf %sub3A_750, %sub3A_750 : vector<16xf32>
        %add3A_755 = arith.addf %mul3A_753, %mul3A_754 : vector<16xf32>
        %mul3A_756 = arith.mulf %sub3A_752, %sub3A_752 : vector<16xf32>
        %add3A_757 = arith.addf %add3A_755, %mul3A_756 : vector<16xf32>
        %min3A_758 = arith.minimumf %scan3A_681, %add3A_757 : vector<16xf32>
        %min3A_759 = arith.minimumf %min3A_746, %add3A_757 : vector<16xf32>
        %sub3A_760 = vector.broadcast %squeeze3A_91 : f32 to vector<16xf32>
        %sub3A_761 = arith.subf %get3A_698, %sub3A_760 : vector<16xf32>
        %sub3A_762 = vector.broadcast %squeeze3A_93 : f32 to vector<16xf32>
        %sub3A_763 = arith.subf %get3A_701, %sub3A_762 : vector<16xf32>
        %sub3A_764 = vector.broadcast %squeeze3A_95 : f32 to vector<16xf32>
        %sub3A_765 = arith.subf %get3A_704, %sub3A_764 : vector<16xf32>
        %mul3A_766 = arith.mulf %sub3A_761, %sub3A_761 : vector<16xf32>
        %mul3A_767 = arith.mulf %sub3A_763, %sub3A_763 : vector<16xf32>
        %add3A_768 = arith.addf %mul3A_766, %mul3A_767 : vector<16xf32>
        %mul3A_769 = arith.mulf %sub3A_765, %sub3A_765 : vector<16xf32>
        %add3A_770 = arith.addf %add3A_768, %mul3A_769 : vector<16xf32>
        %min3A_771 = arith.minimumf %scan3A_682, %add3A_770 : vector<16xf32>
        %min3A_772 = arith.minimumf %min3A_759, %add3A_770 : vector<16xf32>
        %sub3A_773 = vector.broadcast %squeeze3A_97 : f32 to vector<16xf32>
        %sub3A_774 = arith.subf %get3A_698, %sub3A_773 : vector<16xf32>
        %sub3A_775 = vector.broadcast %squeeze3A_99 : f32 to vector<16xf32>
        %sub3A_776 = arith.subf %get3A_701, %sub3A_775 : vector<16xf32>
        %sub3A_777 = vector.broadcast %squeeze3A_101 : f32 to vector<16xf32>
        %sub3A_778 = arith.subf %get3A_704, %sub3A_777 : vector<16xf32>
        %mul3A_779 = arith.mulf %sub3A_774, %sub3A_774 : vector<16xf32>
        %mul3A_780 = arith.mulf %sub3A_776, %sub3A_776 : vector<16xf32>
        %add3A_781 = arith.addf %mul3A_779, %mul3A_780 : vector<16xf32>
        %mul3A_782 = arith.mulf %sub3A_778, %sub3A_778 : vector<16xf32>
        %add3A_783 = arith.addf %add3A_781, %mul3A_782 : vector<16xf32>
        %min3A_784 = arith.minimumf %scan3A_683, %add3A_783 : vector<16xf32>
        %min3A_785 = arith.minimumf %min3A_772, %add3A_783 : vector<16xf32>
        %sub3A_786 = vector.broadcast %squeeze3A_103 : f32 to vector<16xf32>
        %sub3A_787 = arith.subf %get3A_698, %sub3A_786 : vector<16xf32>
        %sub3A_788 = vector.broadcast %squeeze3A_105 : f32 to vector<16xf32>
        %sub3A_789 = arith.subf %get3A_701, %sub3A_788 : vector<16xf32>
        %sub3A_790 = vector.broadcast %squeeze3A_107 : f32 to vector<16xf32>
        %sub3A_791 = arith.subf %get3A_704, %sub3A_790 : vector<16xf32>
        %mul3A_792 = arith.mulf %sub3A_787, %sub3A_787 : vector<16xf32>
        %mul3A_793 = arith.mulf %sub3A_789, %sub3A_789 : vector<16xf32>
        %add3A_794 = arith.addf %mul3A_792, %mul3A_793 : vector<16xf32>
        %mul3A_795 = arith.mulf %sub3A_791, %sub3A_791 : vector<16xf32>
        %add3A_796 = arith.addf %add3A_794, %mul3A_795 : vector<16xf32>
        %min3A_797 = arith.minimumf %scan3A_684, %add3A_796 : vector<16xf32>
        %min3A_798 = arith.minimumf %min3A_785, %add3A_796 : vector<16xf32>
        %sub3A_799 = vector.broadcast %squeeze3A_109 : f32 to vector<16xf32>
        %sub3A_800 = arith.subf %get3A_698, %sub3A_799 : vector<16xf32>
        %sub3A_801 = vector.broadcast %squeeze3A_111 : f32 to vector<16xf32>
        %sub3A_802 = arith.subf %get3A_701, %sub3A_801 : vector<16xf32>
        %sub3A_803 = vector.broadcast %squeeze3A_113 : f32 to vector<16xf32>
        %sub3A_804 = arith.subf %get3A_704, %sub3A_803 : vector<16xf32>
        %mul3A_805 = arith.mulf %sub3A_800, %sub3A_800 : vector<16xf32>
        %mul3A_806 = arith.mulf %sub3A_802, %sub3A_802 : vector<16xf32>
        %add3A_807 = arith.addf %mul3A_805, %mul3A_806 : vector<16xf32>
        %mul3A_808 = arith.mulf %sub3A_804, %sub3A_804 : vector<16xf32>
        %add3A_809 = arith.addf %add3A_807, %mul3A_808 : vector<16xf32>
        %min3A_810 = arith.minimumf %scan3A_685, %add3A_809 : vector<16xf32>
        %min3A_811 = arith.minimumf %min3A_798, %add3A_809 : vector<16xf32>
        %sub3A_812 = vector.broadcast %squeeze3A_115 : f32 to vector<16xf32>
        %sub3A_813 = arith.subf %get3A_698, %sub3A_812 : vector<16xf32>
        %sub3A_814 = vector.broadcast %squeeze3A_117 : f32 to vector<16xf32>
        %sub3A_815 = arith.subf %get3A_701, %sub3A_814 : vector<16xf32>
        %sub3A_816 = vector.broadcast %squeeze3A_119 : f32 to vector<16xf32>
        %sub3A_817 = arith.subf %get3A_704, %sub3A_816 : vector<16xf32>
        %mul3A_818 = arith.mulf %sub3A_813, %sub3A_813 : vector<16xf32>
        %mul3A_819 = arith.mulf %sub3A_815, %sub3A_815 : vector<16xf32>
        %add3A_820 = arith.addf %mul3A_818, %mul3A_819 : vector<16xf32>
        %mul3A_821 = arith.mulf %sub3A_817, %sub3A_817 : vector<16xf32>
        %add3A_822 = arith.addf %add3A_820, %mul3A_821 : vector<16xf32>
        %min3A_823 = arith.minimumf %scan3A_686, %add3A_822 : vector<16xf32>
        %min3A_824 = arith.minimumf %min3A_811, %add3A_822 : vector<16xf32>
        %sub3A_825 = vector.broadcast %squeeze3A_121 : f32 to vector<16xf32>
        %sub3A_826 = arith.subf %get3A_698, %sub3A_825 : vector<16xf32>
        %sub3A_827 = vector.broadcast %squeeze3A_123 : f32 to vector<16xf32>
        %sub3A_828 = arith.subf %get3A_701, %sub3A_827 : vector<16xf32>
        %sub3A_829 = vector.broadcast %squeeze3A_125 : f32 to vector<16xf32>
        %sub3A_830 = arith.subf %get3A_704, %sub3A_829 : vector<16xf32>
        %mul3A_831 = arith.mulf %sub3A_826, %sub3A_826 : vector<16xf32>
        %mul3A_832 = arith.mulf %sub3A_828, %sub3A_828 : vector<16xf32>
        %add3A_833 = arith.addf %mul3A_831, %mul3A_832 : vector<16xf32>
        %mul3A_834 = arith.mulf %sub3A_830, %sub3A_830 : vector<16xf32>
        %add3A_835 = arith.addf %add3A_833, %mul3A_834 : vector<16xf32>
        %min3A_836 = arith.minimumf %scan3A_687, %add3A_835 : vector<16xf32>
        %min3A_837 = arith.minimumf %min3A_824, %add3A_835 : vector<16xf32>
        %sub3A_838 = vector.broadcast %squeeze3A_127 : f32 to vector<16xf32>
        %sub3A_839 = arith.subf %get3A_698, %sub3A_838 : vector<16xf32>
        %sub3A_840 = vector.broadcast %squeeze3A_129 : f32 to vector<16xf32>
        %sub3A_841 = arith.subf %get3A_701, %sub3A_840 : vector<16xf32>
        %sub3A_842 = vector.broadcast %squeeze3A_131 : f32 to vector<16xf32>
        %sub3A_843 = arith.subf %get3A_704, %sub3A_842 : vector<16xf32>
        %mul3A_844 = arith.mulf %sub3A_839, %sub3A_839 : vector<16xf32>
        %mul3A_845 = arith.mulf %sub3A_841, %sub3A_841 : vector<16xf32>
        %add3A_846 = arith.addf %mul3A_844, %mul3A_845 : vector<16xf32>
        %mul3A_847 = arith.mulf %sub3A_843, %sub3A_843 : vector<16xf32>
        %add3A_848 = arith.addf %add3A_846, %mul3A_847 : vector<16xf32>
        %min3A_849 = arith.minimumf %scan3A_688, %add3A_848 : vector<16xf32>
        %min3A_850 = arith.minimumf %min3A_837, %add3A_848 : vector<16xf32>
        %sub3A_851 = vector.broadcast %squeeze3A_133 : f32 to vector<16xf32>
        %sub3A_852 = arith.subf %get3A_698, %sub3A_851 : vector<16xf32>
        %sub3A_853 = vector.broadcast %squeeze3A_135 : f32 to vector<16xf32>
        %sub3A_854 = arith.subf %get3A_701, %sub3A_853 : vector<16xf32>
        %sub3A_855 = vector.broadcast %squeeze3A_137 : f32 to vector<16xf32>
        %sub3A_856 = arith.subf %get3A_704, %sub3A_855 : vector<16xf32>
        %mul3A_857 = arith.mulf %sub3A_852, %sub3A_852 : vector<16xf32>
        %mul3A_858 = arith.mulf %sub3A_854, %sub3A_854 : vector<16xf32>
        %add3A_859 = arith.addf %mul3A_857, %mul3A_858 : vector<16xf32>
        %mul3A_860 = arith.mulf %sub3A_856, %sub3A_856 : vector<16xf32>
        %add3A_861 = arith.addf %add3A_859, %mul3A_860 : vector<16xf32>
        %min3A_862 = arith.minimumf %scan3A_689, %add3A_861 : vector<16xf32>
        %min3A_863 = arith.minimumf %min3A_850, %add3A_861 : vector<16xf32>
        %sub3A_864 = vector.broadcast %squeeze3A_139 : f32 to vector<16xf32>
        %sub3A_865 = arith.subf %get3A_698, %sub3A_864 : vector<16xf32>
        %sub3A_866 = vector.broadcast %squeeze3A_141 : f32 to vector<16xf32>
        %sub3A_867 = arith.subf %get3A_701, %sub3A_866 : vector<16xf32>
        %sub3A_868 = vector.broadcast %squeeze3A_143 : f32 to vector<16xf32>
        %sub3A_869 = arith.subf %get3A_704, %sub3A_868 : vector<16xf32>
        %mul3A_870 = arith.mulf %sub3A_865, %sub3A_865 : vector<16xf32>
        %mul3A_871 = arith.mulf %sub3A_867, %sub3A_867 : vector<16xf32>
        %add3A_872 = arith.addf %mul3A_870, %mul3A_871 : vector<16xf32>
        %mul3A_873 = arith.mulf %sub3A_869, %sub3A_869 : vector<16xf32>
        %add3A_874 = arith.addf %add3A_872, %mul3A_873 : vector<16xf32>
        %min3A_875 = arith.minimumf %scan3A_690, %add3A_874 : vector<16xf32>
        %min3A_876 = arith.minimumf %min3A_863, %add3A_874 : vector<16xf32>
        %sub3A_877 = vector.broadcast %squeeze3A_145 : f32 to vector<16xf32>
        %sub3A_878 = arith.subf %get3A_698, %sub3A_877 : vector<16xf32>
        %sub3A_879 = vector.broadcast %squeeze3A_147 : f32 to vector<16xf32>
        %sub3A_880 = arith.subf %get3A_701, %sub3A_879 : vector<16xf32>
        %sub3A_881 = vector.broadcast %squeeze3A_149 : f32 to vector<16xf32>
        %sub3A_882 = arith.subf %get3A_704, %sub3A_881 : vector<16xf32>
        %mul3A_883 = arith.mulf %sub3A_878, %sub3A_878 : vector<16xf32>
        %mul3A_884 = arith.mulf %sub3A_880, %sub3A_880 : vector<16xf32>
        %add3A_885 = arith.addf %mul3A_883, %mul3A_884 : vector<16xf32>
        %mul3A_886 = arith.mulf %sub3A_882, %sub3A_882 : vector<16xf32>
        %add3A_887 = arith.addf %add3A_885, %mul3A_886 : vector<16xf32>
        %min3A_888 = arith.minimumf %scan3A_691, %add3A_887 : vector<16xf32>
        %min3A_889 = arith.minimumf %min3A_876, %add3A_887 : vector<16xf32>
        %sub3A_890 = vector.broadcast %squeeze3A_151 : f32 to vector<16xf32>
        %sub3A_891 = arith.subf %get3A_698, %sub3A_890 : vector<16xf32>
        %sub3A_892 = vector.broadcast %squeeze3A_153 : f32 to vector<16xf32>
        %sub3A_893 = arith.subf %get3A_701, %sub3A_892 : vector<16xf32>
        %sub3A_894 = vector.broadcast %squeeze3A_155 : f32 to vector<16xf32>
        %sub3A_895 = arith.subf %get3A_704, %sub3A_894 : vector<16xf32>
        %mul3A_896 = arith.mulf %sub3A_891, %sub3A_891 : vector<16xf32>
        %mul3A_897 = arith.mulf %sub3A_893, %sub3A_893 : vector<16xf32>
        %add3A_898 = arith.addf %mul3A_896, %mul3A_897 : vector<16xf32>
        %mul3A_899 = arith.mulf %sub3A_895, %sub3A_895 : vector<16xf32>
        %add3A_900 = arith.addf %add3A_898, %mul3A_899 : vector<16xf32>
        %min3A_901 = arith.minimumf %scan3A_692, %add3A_900 : vector<16xf32>
        %min3A_902 = arith.minimumf %min3A_889, %add3A_900 : vector<16xf32>
        %sub3A_903 = vector.broadcast %squeeze3A_157 : f32 to vector<16xf32>
        %sub3A_904 = arith.subf %get3A_698, %sub3A_903 : vector<16xf32>
        %sub3A_905 = vector.broadcast %squeeze3A_159 : f32 to vector<16xf32>
        %sub3A_906 = arith.subf %get3A_701, %sub3A_905 : vector<16xf32>
        %sub3A_907 = vector.broadcast %squeeze3A_161 : f32 to vector<16xf32>
        %sub3A_908 = arith.subf %get3A_704, %sub3A_907 : vector<16xf32>
        %mul3A_909 = arith.mulf %sub3A_904, %sub3A_904 : vector<16xf32>
        %mul3A_910 = arith.mulf %sub3A_906, %sub3A_906 : vector<16xf32>
        %add3A_911 = arith.addf %mul3A_909, %mul3A_910 : vector<16xf32>
        %mul3A_912 = arith.mulf %sub3A_908, %sub3A_908 : vector<16xf32>
        %add3A_913 = arith.addf %add3A_911, %mul3A_912 : vector<16xf32>
        %min3A_914 = arith.minimumf %scan3A_693, %add3A_913 : vector<16xf32>
        %min3A_915 = arith.minimumf %min3A_902, %add3A_913 : vector<16xf32>
        %swap3A_916 = arith.index_cast %mul3A_695 : i32 to index
        %swap3A_917 = tpu.vector_load %arg16[%swap3A_916] {strides = array<i32>} : memref<2048xf32, #tpu.memory_space<vmem>>, vector<16xf32>,
        %swap3A_918 = vector.shape_cast %swap3A_917 : vector<16xf32> to vector<16xf32>
        %swap3A_919 = vector.shape_cast %min3A_915 : vector<16xf32> to vector<16xf32>
        tpu.vector_store %arg16[%swap3A_916], %swap3A_919 {strides = array<i32>} : memref<2048xf32, #tpu.memory_space<vmem>>, vector<16xf32>,
        scf.yield %min3A_719, %min3A_732, %min3A_745, %min3A_758, %min3A_771, %min3A_784, %min3A_797, %min3A_810, %min3A_823, %min3A_836, %min3A_849, %min3A_862, %min3A_875, %min3A_888, %min3A_901, %min3A_914 : vector<16xf32>, vector<16xf32>, vector<16xf32>, vector<16xf32>, vector<16xf32>, vector<16xf32>, vector<16xf32>, vector<16xf32>, vector<16xf32>, vector<16xf32>, vector<16xf32>, vector<16xf32>, vector<16xf32>, vector<16xf32>, vector<16xf32>, vector<16xf32>
      }
      %scan3A_167 = arith.constant 128 : i32
      %iota3A_168 = tpu.iota {dimensions = array<i32: 0>} : vector<16xi32>
      %xor3A = arith.constant 8 : i32
      %xor3A_169 = vector.broadcast %xor3A : i32 to vector<16xi32>
      %xor3A_170 = arith.xori %iota3A_168, %xor3A_169 : vector<16xi32>
      %broadcast_in_dim3A_171 = vector.shape_cast %xor3A_170 : vector<16xi32> to vector<16x1xi32>
      %gather3A = vector.shape_cast %broadcast_in_dim3A_171 : vector<16x1xi32> to vector<16xi32>
      %gather3A_172 = tpu.dynamic_gather %scan3A_166#0[%gather3A] in [0] : vector<16xf32>, vector<16xi32> -> vector<16xf32>
      %min3A = arith.minimumf %scan3A_166#0, %gather3A_172 : vector<16xf32>
      %xor3A_173 = arith.constant 4 : i32
      %xor3A_174 = vector.broadcast %xor3A_173 : i32 to vector<16xi32>
      %xor3A_175 = arith.xori %iota3A_168, %xor3A_174 : vector<16xi32>
      %broadcast_in_dim3A_176 = vector.shape_cast %xor3A_175 : vector<16xi32> to vector<16x1xi32>
      %gather3A_177 = vector.shape_cast %broadcast_in_dim3A_176 : vector<16x1xi32> to vector<16xi32>
      %gather3A_178 = tpu.dynamic_gather %min3A[%gather3A_177] in [0] : vector<16xf32>, vector<16xi32> -> vector<16xf32>
      %min3A_179 = arith.minimumf %min3A, %gather3A_178 : vector<16xf32>
      %xor3A_180 = arith.constant 2 : i32
      %xor3A_181 = vector.broadcast %xor3A_180 : i32 to vector<16xi32>
      %xor3A_182 = arith.xori %iota3A_168, %xor3A_181 : vector<16xi32>
      %broadcast_in_dim3A_183 = vector.shape_cast %xor3A_182 : vector<16xi32> to vector<16x1xi32>
      %gather3A_184 = vector.shape_cast %broadcast_in_dim3A_183 : vector<16x1xi32> to vector<16xi32>
      %gather3A_185 = tpu.dynamic_gather %min3A_179[%gather3A_184] in [0] : vector<16xf32>, vector<16xi32> -> vector<16xf32>
      %min3A_186 = arith.minimumf %min3A_179, %gather3A_185 : vector<16xf32>
      %xor3A_187 = arith.constant 1 : i32
      %xor3A_188 = vector.broadcast %xor3A_187 : i32 to vector<16xi32>
      %xor3A_189 = arith.xori %iota3A_168, %xor3A_188 : vector<16xi32>
      %broadcast_in_dim3A_190 = vector.shape_cast %xor3A_189 : vector<16xi32> to vector<16x1xi32>
      %gather3A_191 = vector.shape_cast %broadcast_in_dim3A_190 : vector<16x1xi32> to vector<16xi32>
      %gather3A_192 = tpu.dynamic_gather %min3A_186[%gather3A_191] in [0] : vector<16xf32>, vector<16xi32> -> vector<16xf32>
      %min3A_193 = arith.minimumf %min3A_186, %gather3A_192 : vector<16xf32>
      %slice3A_194 = vector.extract_strided_slice %min3A_193 {offsets = [0], sizes = [1], strides = [1]} : vector<16xf32> to vector<1xf32>
      %squeeze3A_195 = vector.extract %slice3A_194[0] : f32 from vector<1xf32>
      %add3A_196 = arith.addf %scan3A_57, %squeeze3A_195 : f32
      %iota3A_197 = tpu.iota {dimensions = array<i32: 0>} : vector<16xi32>
      %xor3A_198 = arith.constant 8 : i32
      %xor3A_199 = vector.broadcast %xor3A_198 : i32 to vector<16xi32>
      %xor3A_200 = arith.xori %iota3A_197, %xor3A_199 : vector<16xi32>
      %broadcast_in_dim3A_201 = vector.shape_cast %xor3A_200 : vector<16xi32> to vector<16x1xi32>
      %gather3A_202 = vector.shape_cast %broadcast_in_dim3A_201 : vector<16x1xi32> to vector<16xi32>
      %gather3A_203 = tpu.dynamic_gather %scan3A_166#1[%gather3A_202] in [0] : vector<16xf32>, vector<16xi32> -> vector<16xf32>
      %min3A_204 = arith.minimumf %scan3A_166#1, %gather3A_203 : vector<16xf32>
      %xor3A_205 = arith.constant 4 : i32
      %xor3A_206 = vector.broadcast %xor3A_205 : i32 to vector<16xi32>
      %xor3A_207 = arith.xori %iota3A_197, %xor3A_206 : vector<16xi32>
      %broadcast_in_dim3A_208 = vector.shape_cast %xor3A_207 : vector<16xi32> to vector<16x1xi32>
      %gather3A_209 = vector.shape_cast %broadcast_in_dim3A_208 : vector<16x1xi32> to vector<16xi32>
      %gather3A_210 = tpu.dynamic_gather %min3A_204[%gather3A_209] in [0] : vector<16xf32>, vector<16xi32> -> vector<16xf32>
      %min3A_211 = arith.minimumf %min3A_204, %gather3A_210 : vector<16xf32>
      %xor3A_212 = arith.constant 2 : i32
      %xor3A_213 = vector.broadcast %xor3A_212 : i32 to vector<16xi32>
      %xor3A_214 = arith.xori %iota3A_197, %xor3A_213 : vector<16xi32>
      %broadcast_in_dim3A_215 = vector.shape_cast %xor3A_214 : vector<16xi32> to vector<16x1xi32>
      %gather3A_216 = vector.shape_cast %broadcast_in_dim3A_215 : vector<16x1xi32> to vector<16xi32>
      %gather3A_217 = tpu.dynamic_gather %min3A_211[%gather3A_216] in [0] : vector<16xf32>, vector<16xi32> -> vector<16xf32>
      %min3A_218 = arith.minimumf %min3A_211, %gather3A_217 : vector<16xf32>
      %xor3A_219 = arith.constant 1 : i32
      %xor3A_220 = vector.broadcast %xor3A_219 : i32 to vector<16xi32>
      %xor3A_221 = arith.xori %iota3A_197, %xor3A_220 : vector<16xi32>
      %broadcast_in_dim3A_222 = vector.shape_cast %xor3A_221 : vector<16xi32> to vector<16x1xi32>
      %gather3A_223 = vector.shape_cast %broadcast_in_dim3A_222 : vector<16x1xi32> to vector<16xi32>
      %gather3A_224 = tpu.dynamic_gather %min3A_218[%gather3A_223] in [0] : vector<16xf32>, vector<16xi32> -> vector<16xf32>
      %min3A_225 = arith.minimumf %min3A_218, %gather3A_224 : vector<16xf32>
      %slice3A_226 = vector.extract_strided_slice %min3A_225 {offsets = [0], sizes = [1], strides = [1]} : vector<16xf32> to vector<1xf32>
      %squeeze3A_227 = vector.extract %slice3A_226[0] : f32 from vector<1xf32>
      %add3A_228 = arith.addf %add3A_196, %squeeze3A_227 : f32
      %iota3A_229 = tpu.iota {dimensions = array<i32: 0>} : vector<16xi32>
      %xor3A_230 = arith.constant 8 : i32
      %xor3A_231 = vector.broadcast %xor3A_230 : i32 to vector<16xi32>
      %xor3A_232 = arith.xori %iota3A_229, %xor3A_231 : vector<16xi32>
      %broadcast_in_dim3A_233 = vector.shape_cast %xor3A_232 : vector<16xi32> to vector<16x1xi32>
      %gather3A_234 = vector.shape_cast %broadcast_in_dim3A_233 : vector<16x1xi32> to vector<16xi32>
      %gather3A_235 = tpu.dynamic_gather %scan3A_166#2[%gather3A_234] in [0] : vector<16xf32>, vector<16xi32> -> vector<16xf32>
      %min3A_236 = arith.minimumf %scan3A_166#2, %gather3A_235 : vector<16xf32>
      %xor3A_237 = arith.constant 4 : i32
      %xor3A_238 = vector.broadcast %xor3A_237 : i32 to vector<16xi32>
      %xor3A_239 = arith.xori %iota3A_229, %xor3A_238 : vector<16xi32>
      %broadcast_in_dim3A_240 = vector.shape_cast %xor3A_239 : vector<16xi32> to vector<16x1xi32>
      %gather3A_241 = vector.shape_cast %broadcast_in_dim3A_240 : vector<16x1xi32> to vector<16xi32>
      %gather3A_242 = tpu.dynamic_gather %min3A_236[%gather3A_241] in [0] : vector<16xf32>, vector<16xi32> -> vector<16xf32>
      %min3A_243 = arith.minimumf %min3A_236, %gather3A_242 : vector<16xf32>
      %xor3A_244 = arith.constant 2 : i32
      %xor3A_245 = vector.broadcast %xor3A_244 : i32 to vector<16xi32>
      %xor3A_246 = arith.xori %iota3A_229, %xor3A_245 : vector<16xi32>
      %broadcast_in_dim3A_247 = vector.shape_cast %xor3A_246 : vector<16xi32> to vector<16x1xi32>
      %gather3A_248 = vector.shape_cast %broadcast_in_dim3A_247 : vector<16x1xi32> to vector<16xi32>
      %gather3A_249 = tpu.dynamic_gather %min3A_243[%gather3A_248] in [0] : vector<16xf32>, vector<16xi32> -> vector<16xf32>
      %min3A_250 = arith.minimumf %min3A_243, %gather3A_249 : vector<16xf32>
      %xor3A_251 = arith.constant 1 : i32
      %xor3A_252 = vector.broadcast %xor3A_251 : i32 to vector<16xi32>
      %xor3A_253 = arith.xori %iota3A_229, %xor3A_252 : vector<16xi32>
      %broadcast_in_dim3A_254 = vector.shape_cast %xor3A_253 : vector<16xi32> to vector<16x1xi32>
      %gather3A_255 = vector.shape_cast %broadcast_in_dim3A_254 : vector<16x1xi32> to vector<16xi32>
      %gather3A_256 = tpu.dynamic_gather %min3A_250[%gather3A_255] in [0] : vector<16xf32>, vector<16xi32> -> vector<16xf32>
      %min3A_257 = arith.minimumf %min3A_250, %gather3A_256 : vector<16xf32>
      %slice3A_258 = vector.extract_strided_slice %min3A_257 {offsets = [0], sizes = [1], strides = [1]} : vector<16xf32> to vector<1xf32>
      %squeeze3A_259 = vector.extract %slice3A_258[0] : f32 from vector<1xf32>
      %add3A_260 = arith.addf %add3A_228, %squeeze3A_259 : f32
      %iota3A_261 = tpu.iota {dimensions = array<i32: 0>} : vector<16xi32>
      %xor3A_262 = arith.constant 8 : i32
      %xor3A_263 = vector.broadcast %xor3A_262 : i32 to vector<16xi32>
      %xor3A_264 = arith.xori %iota3A_261, %xor3A_263 : vector<16xi32>
      %broadcast_in_dim3A_265 = vector.shape_cast %xor3A_264 : vector<16xi32> to vector<16x1xi32>
      %gather3A_266 = vector.shape_cast %broadcast_in_dim3A_265 : vector<16x1xi32> to vector<16xi32>
      %gather3A_267 = tpu.dynamic_gather %scan3A_166#3[%gather3A_266] in [0] : vector<16xf32>, vector<16xi32> -> vector<16xf32>
      %min3A_268 = arith.minimumf %scan3A_166#3, %gather3A_267 : vector<16xf32>
      %xor3A_269 = arith.constant 4 : i32
      %xor3A_270 = vector.broadcast %xor3A_269 : i32 to vector<16xi32>
      %xor3A_271 = arith.xori %iota3A_261, %xor3A_270 : vector<16xi32>
      %broadcast_in_dim3A_272 = vector.shape_cast %xor3A_271 : vector<16xi32> to vector<16x1xi32>
      %gather3A_273 = vector.shape_cast %broadcast_in_dim3A_272 : vector<16x1xi32> to vector<16xi32>
      %gather3A_274 = tpu.dynamic_gather %min3A_268[%gather3A_273] in [0] : vector<16xf32>, vector<16xi32> -> vector<16xf32>
      %min3A_275 = arith.minimumf %min3A_268, %gather3A_274 : vector<16xf32>
      %xor3A_276 = arith.constant 2 : i32
      %xor3A_277 = vector.broadcast %xor3A_276 : i32 to vector<16xi32>
      %xor3A_278 = arith.xori %iota3A_261, %xor3A_277 : vector<16xi32>
      %broadcast_in_dim3A_279 = vector.shape_cast %xor3A_278 : vector<16xi32> to vector<16x1xi32>
      %gather3A_280 = vector.shape_cast %broadcast_in_dim3A_279 : vector<16x1xi32> to vector<16xi32>
      %gather3A_281 = tpu.dynamic_gather %min3A_275[%gather3A_280] in [0] : vector<16xf32>, vector<16xi32> -> vector<16xf32>
      %min3A_282 = arith.minimumf %min3A_275, %gather3A_281 : vector<16xf32>
      %xor3A_283 = arith.constant 1 : i32
      %xor3A_284 = vector.broadcast %xor3A_283 : i32 to vector<16xi32>
      %xor3A_285 = arith.xori %iota3A_261, %xor3A_284 : vector<16xi32>
      %broadcast_in_dim3A_286 = vector.shape_cast %xor3A_285 : vector<16xi32> to vector<16x1xi32>
      %gather3A_287 = vector.shape_cast %broadcast_in_dim3A_286 : vector<16x1xi32> to vector<16xi32>
      %gather3A_288 = tpu.dynamic_gather %min3A_282[%gather3A_287] in [0] : vector<16xf32>, vector<16xi32> -> vector<16xf32>
      %min3A_289 = arith.minimumf %min3A_282, %gather3A_288 : vector<16xf32>
      %slice3A_290 = vector.extract_strided_slice %min3A_289 {offsets = [0], sizes = [1], strides = [1]} : vector<16xf32> to vector<1xf32>
      %squeeze3A_291 = vector.extract %slice3A_290[0] : f32 from vector<1xf32>
      %add3A_292 = arith.addf %add3A_260, %squeeze3A_291 : f32
      %iota3A_293 = tpu.iota {dimensions = array<i32: 0>} : vector<16xi32>
      %xor3A_294 = arith.constant 8 : i32
      %xor3A_295 = vector.broadcast %xor3A_294 : i32 to vector<16xi32>
      %xor3A_296 = arith.xori %iota3A_293, %xor3A_295 : vector<16xi32>
      %broadcast_in_dim3A_297 = vector.shape_cast %xor3A_296 : vector<16xi32> to vector<16x1xi32>
      %gather3A_298 = vector.shape_cast %broadcast_in_dim3A_297 : vector<16x1xi32> to vector<16xi32>
      %gather3A_299 = tpu.dynamic_gather %scan3A_166#4[%gather3A_298] in [0] : vector<16xf32>, vector<16xi32> -> vector<16xf32>
      %min3A_300 = arith.minimumf %scan3A_166#4, %gather3A_299 : vector<16xf32>
      %xor3A_301 = arith.constant 4 : i32
      %xor3A_302 = vector.broadcast %xor3A_301 : i32 to vector<16xi32>
      %xor3A_303 = arith.xori %iota3A_293, %xor3A_302 : vector<16xi32>
      %broadcast_in_dim3A_304 = vector.shape_cast %xor3A_303 : vector<16xi32> to vector<16x1xi32>
      %gather3A_305 = vector.shape_cast %broadcast_in_dim3A_304 : vector<16x1xi32> to vector<16xi32>
      %gather3A_306 = tpu.dynamic_gather %min3A_300[%gather3A_305] in [0] : vector<16xf32>, vector<16xi32> -> vector<16xf32>
      %min3A_307 = arith.minimumf %min3A_300, %gather3A_306 : vector<16xf32>
      %xor3A_308 = arith.constant 2 : i32
      %xor3A_309 = vector.broadcast %xor3A_308 : i32 to vector<16xi32>
      %xor3A_310 = arith.xori %iota3A_293, %xor3A_309 : vector<16xi32>
      %broadcast_in_dim3A_311 = vector.shape_cast %xor3A_310 : vector<16xi32> to vector<16x1xi32>
      %gather3A_312 = vector.shape_cast %broadcast_in_dim3A_311 : vector<16x1xi32> to vector<16xi32>
      %gather3A_313 = tpu.dynamic_gather %min3A_307[%gather3A_312] in [0] : vector<16xf32>, vector<16xi32> -> vector<16xf32>
      %min3A_314 = arith.minimumf %min3A_307, %gather3A_313 : vector<16xf32>
      %xor3A_315 = arith.constant 1 : i32
      %xor3A_316 = vector.broadcast %xor3A_315 : i32 to vector<16xi32>
      %xor3A_317 = arith.xori %iota3A_293, %xor3A_316 : vector<16xi32>
      %broadcast_in_dim3A_318 = vector.shape_cast %xor3A_317 : vector<16xi32> to vector<16x1xi32>
      %gather3A_319 = vector.shape_cast %broadcast_in_dim3A_318 : vector<16x1xi32> to vector<16xi32>
      %gather3A_320 = tpu.dynamic_gather %min3A_314[%gather3A_319] in [0] : vector<16xf32>, vector<16xi32> -> vector<16xf32>
      %min3A_321 = arith.minimumf %min3A_314, %gather3A_320 : vector<16xf32>
      %slice3A_322 = vector.extract_strided_slice %min3A_321 {offsets = [0], sizes = [1], strides = [1]} : vector<16xf32> to vector<1xf32>
      %squeeze3A_323 = vector.extract %slice3A_322[0] : f32 from vector<1xf32>
      %add3A_324 = arith.addf %add3A_292, %squeeze3A_323 : f32
      %iota3A_325 = tpu.iota {dimensions = array<i32: 0>} : vector<16xi32>
      %xor3A_326 = arith.constant 8 : i32
      %xor3A_327 = vector.broadcast %xor3A_326 : i32 to vector<16xi32>
      %xor3A_328 = arith.xori %iota3A_325, %xor3A_327 : vector<16xi32>
      %broadcast_in_dim3A_329 = vector.shape_cast %xor3A_328 : vector<16xi32> to vector<16x1xi32>
      %gather3A_330 = vector.shape_cast %broadcast_in_dim3A_329 : vector<16x1xi32> to vector<16xi32>
      %gather3A_331 = tpu.dynamic_gather %scan3A_166#5[%gather3A_330] in [0] : vector<16xf32>, vector<16xi32> -> vector<16xf32>
      %min3A_332 = arith.minimumf %scan3A_166#5, %gather3A_331 : vector<16xf32>
      %xor3A_333 = arith.constant 4 : i32
      %xor3A_334 = vector.broadcast %xor3A_333 : i32 to vector<16xi32>
      %xor3A_335 = arith.xori %iota3A_325, %xor3A_334 : vector<16xi32>
      %broadcast_in_dim3A_336 = vector.shape_cast %xor3A_335 : vector<16xi32> to vector<16x1xi32>
      %gather3A_337 = vector.shape_cast %broadcast_in_dim3A_336 : vector<16x1xi32> to vector<16xi32>
      %gather3A_338 = tpu.dynamic_gather %min3A_332[%gather3A_337] in [0] : vector<16xf32>, vector<16xi32> -> vector<16xf32>
      %min3A_339 = arith.minimumf %min3A_332, %gather3A_338 : vector<16xf32>
      %xor3A_340 = arith.constant 2 : i32
      %xor3A_341 = vector.broadcast %xor3A_340 : i32 to vector<16xi32>
      %xor3A_342 = arith.xori %iota3A_325, %xor3A_341 : vector<16xi32>
      %broadcast_in_dim3A_343 = vector.shape_cast %xor3A_342 : vector<16xi32> to vector<16x1xi32>
      %gather3A_344 = vector.shape_cast %broadcast_in_dim3A_343 : vector<16x1xi32> to vector<16xi32>
      %gather3A_345 = tpu.dynamic_gather %min3A_339[%gather3A_344] in [0] : vector<16xf32>, vector<16xi32> -> vector<16xf32>
      %min3A_346 = arith.minimumf %min3A_339, %gather3A_345 : vector<16xf32>
      %xor3A_347 = arith.constant 1 : i32
      %xor3A_348 = vector.broadcast %xor3A_347 : i32 to vector<16xi32>
      %xor3A_349 = arith.xori %iota3A_325, %xor3A_348 : vector<16xi32>
      %broadcast_in_dim3A_350 = vector.shape_cast %xor3A_349 : vector<16xi32> to vector<16x1xi32>
      %gather3A_351 = vector.shape_cast %broadcast_in_dim3A_350 : vector<16x1xi32> to vector<16xi32>
      %gather3A_352 = tpu.dynamic_gather %min3A_346[%gather3A_351] in [0] : vector<16xf32>, vector<16xi32> -> vector<16xf32>
      %min3A_353 = arith.minimumf %min3A_346, %gather3A_352 : vector<16xf32>
      %slice3A_354 = vector.extract_strided_slice %min3A_353 {offsets = [0], sizes = [1], strides = [1]} : vector<16xf32> to vector<1xf32>
      %squeeze3A_355 = vector.extract %slice3A_354[0] : f32 from vector<1xf32>
      %add3A_356 = arith.addf %add3A_324, %squeeze3A_355 : f32
      %iota3A_357 = tpu.iota {dimensions = array<i32: 0>} : vector<16xi32>
      %xor3A_358 = arith.constant 8 : i32
      %xor3A_359 = vector.broadcast %xor3A_358 : i32 to vector<16xi32>
      %xor3A_360 = arith.xori %iota3A_357, %xor3A_359 : vector<16xi32>
      %broadcast_in_dim3A_361 = vector.shape_cast %xor3A_360 : vector<16xi32> to vector<16x1xi32>
      %gather3A_362 = vector.shape_cast %broadcast_in_dim3A_361 : vector<16x1xi32> to vector<16xi32>
      %gather3A_363 = tpu.dynamic_gather %scan3A_166#6[%gather3A_362] in [0] : vector<16xf32>, vector<16xi32> -> vector<16xf32>
      %min3A_364 = arith.minimumf %scan3A_166#6, %gather3A_363 : vector<16xf32>
      %xor3A_365 = arith.constant 4 : i32
      %xor3A_366 = vector.broadcast %xor3A_365 : i32 to vector<16xi32>
      %xor3A_367 = arith.xori %iota3A_357, %xor3A_366 : vector<16xi32>
      %broadcast_in_dim3A_368 = vector.shape_cast %xor3A_367 : vector<16xi32> to vector<16x1xi32>
      %gather3A_369 = vector.shape_cast %broadcast_in_dim3A_368 : vector<16x1xi32> to vector<16xi32>
      %gather3A_370 = tpu.dynamic_gather %min3A_364[%gather3A_369] in [0] : vector<16xf32>, vector<16xi32> -> vector<16xf32>
      %min3A_371 = arith.minimumf %min3A_364, %gather3A_370 : vector<16xf32>
      %xor3A_372 = arith.constant 2 : i32
      %xor3A_373 = vector.broadcast %xor3A_372 : i32 to vector<16xi32>
      %xor3A_374 = arith.xori %iota3A_357, %xor3A_373 : vector<16xi32>
      %broadcast_in_dim3A_375 = vector.shape_cast %xor3A_374 : vector<16xi32> to vector<16x1xi32>
      %gather3A_376 = vector.shape_cast %broadcast_in_dim3A_375 : vector<16x1xi32> to vector<16xi32>
      %gather3A_377 = tpu.dynamic_gather %min3A_371[%gather3A_376] in [0] : vector<16xf32>, vector<16xi32> -> vector<16xf32>
      %min3A_378 = arith.minimumf %min3A_371, %gather3A_377 : vector<16xf32>
      %xor3A_379 = arith.constant 1 : i32
      %xor3A_380 = vector.broadcast %xor3A_379 : i32 to vector<16xi32>
      %xor3A_381 = arith.xori %iota3A_357, %xor3A_380 : vector<16xi32>
      %broadcast_in_dim3A_382 = vector.shape_cast %xor3A_381 : vector<16xi32> to vector<16x1xi32>
      %gather3A_383 = vector.shape_cast %broadcast_in_dim3A_382 : vector<16x1xi32> to vector<16xi32>
      %gather3A_384 = tpu.dynamic_gather %min3A_378[%gather3A_383] in [0] : vector<16xf32>, vector<16xi32> -> vector<16xf32>
      %min3A_385 = arith.minimumf %min3A_378, %gather3A_384 : vector<16xf32>
      %slice3A_386 = vector.extract_strided_slice %min3A_385 {offsets = [0], sizes = [1], strides = [1]} : vector<16xf32> to vector<1xf32>
      %squeeze3A_387 = vector.extract %slice3A_386[0] : f32 from vector<1xf32>
      %add3A_388 = arith.addf %add3A_356, %squeeze3A_387 : f32
      %iota3A_389 = tpu.iota {dimensions = array<i32: 0>} : vector<16xi32>
      %xor3A_390 = arith.constant 8 : i32
      %xor3A_391 = vector.broadcast %xor3A_390 : i32 to vector<16xi32>
      %xor3A_392 = arith.xori %iota3A_389, %xor3A_391 : vector<16xi32>
      %broadcast_in_dim3A_393 = vector.shape_cast %xor3A_392 : vector<16xi32> to vector<16x1xi32>
      %gather3A_394 = vector.shape_cast %broadcast_in_dim3A_393 : vector<16x1xi32> to vector<16xi32>
      %gather3A_395 = tpu.dynamic_gather %scan3A_166#7[%gather3A_394] in [0] : vector<16xf32>, vector<16xi32> -> vector<16xf32>
      %min3A_396 = arith.minimumf %scan3A_166#7, %gather3A_395 : vector<16xf32>
      %xor3A_397 = arith.constant 4 : i32
      %xor3A_398 = vector.broadcast %xor3A_397 : i32 to vector<16xi32>
      %xor3A_399 = arith.xori %iota3A_389, %xor3A_398 : vector<16xi32>
      %broadcast_in_dim3A_400 = vector.shape_cast %xor3A_399 : vector<16xi32> to vector<16x1xi32>
      %gather3A_401 = vector.shape_cast %broadcast_in_dim3A_400 : vector<16x1xi32> to vector<16xi32>
      %gather3A_402 = tpu.dynamic_gather %min3A_396[%gather3A_401] in [0] : vector<16xf32>, vector<16xi32> -> vector<16xf32>
      %min3A_403 = arith.minimumf %min3A_396, %gather3A_402 : vector<16xf32>
      %xor3A_404 = arith.constant 2 : i32
      %xor3A_405 = vector.broadcast %xor3A_404 : i32 to vector<16xi32>
      %xor3A_406 = arith.xori %iota3A_389, %xor3A_405 : vector<16xi32>
      %broadcast_in_dim3A_407 = vector.shape_cast %xor3A_406 : vector<16xi32> to vector<16x1xi32>
      %gather3A_408 = vector.shape_cast %broadcast_in_dim3A_407 : vector<16x1xi32> to vector<16xi32>
      %gather3A_409 = tpu.dynamic_gather %min3A_403[%gather3A_408] in [0] : vector<16xf32>, vector<16xi32> -> vector<16xf32>
      %min3A_410 = arith.minimumf %min3A_403, %gather3A_409 : vector<16xf32>
      %xor3A_411 = arith.constant 1 : i32
      %xor3A_412 = vector.broadcast %xor3A_411 : i32 to vector<16xi32>
      %xor3A_413 = arith.xori %iota3A_389, %xor3A_412 : vector<16xi32>
      %broadcast_in_dim3A_414 = vector.shape_cast %xor3A_413 : vector<16xi32> to vector<16x1xi32>
      %gather3A_415 = vector.shape_cast %broadcast_in_dim3A_414 : vector<16x1xi32> to vector<16xi32>
      %gather3A_416 = tpu.dynamic_gather %min3A_410[%gather3A_415] in [0] : vector<16xf32>, vector<16xi32> -> vector<16xf32>
      %min3A_417 = arith.minimumf %min3A_410, %gather3A_416 : vector<16xf32>
      %slice3A_418 = vector.extract_strided_slice %min3A_417 {offsets = [0], sizes = [1], strides = [1]} : vector<16xf32> to vector<1xf32>
      %squeeze3A_419 = vector.extract %slice3A_418[0] : f32 from vector<1xf32>
      %add3A_420 = arith.addf %add3A_388, %squeeze3A_419 : f32
      %iota3A_421 = tpu.iota {dimensions = array<i32: 0>} : vector<16xi32>
      %xor3A_422 = arith.constant 8 : i32
      %xor3A_423 = vector.broadcast %xor3A_422 : i32 to vector<16xi32>
      %xor3A_424 = arith.xori %iota3A_421, %xor3A_423 : vector<16xi32>
      %broadcast_in_dim3A_425 = vector.shape_cast %xor3A_424 : vector<16xi32> to vector<16x1xi32>
      %gather3A_426 = vector.shape_cast %broadcast_in_dim3A_425 : vector<16x1xi32> to vector<16xi32>
      %gather3A_427 = tpu.dynamic_gather %scan3A_166#8[%gather3A_426] in [0] : vector<16xf32>, vector<16xi32> -> vector<16xf32>
      %min3A_428 = arith.minimumf %scan3A_166#8, %gather3A_427 : vector<16xf32>
      %xor3A_429 = arith.constant 4 : i32
      %xor3A_430 = vector.broadcast %xor3A_429 : i32 to vector<16xi32>
      %xor3A_431 = arith.xori %iota3A_421, %xor3A_430 : vector<16xi32>
      %broadcast_in_dim3A_432 = vector.shape_cast %xor3A_431 : vector<16xi32> to vector<16x1xi32>
      %gather3A_433 = vector.shape_cast %broadcast_in_dim3A_432 : vector<16x1xi32> to vector<16xi32>
      %gather3A_434 = tpu.dynamic_gather %min3A_428[%gather3A_433] in [0] : vector<16xf32>, vector<16xi32> -> vector<16xf32>
      %min3A_435 = arith.minimumf %min3A_428, %gather3A_434 : vector<16xf32>
      %xor3A_436 = arith.constant 2 : i32
      %xor3A_437 = vector.broadcast %xor3A_436 : i32 to vector<16xi32>
      %xor3A_438 = arith.xori %iota3A_421, %xor3A_437 : vector<16xi32>
      %broadcast_in_dim3A_439 = vector.shape_cast %xor3A_438 : vector<16xi32> to vector<16x1xi32>
      %gather3A_440 = vector.shape_cast %broadcast_in_dim3A_439 : vector<16x1xi32> to vector<16xi32>
      %gather3A_441 = tpu.dynamic_gather %min3A_435[%gather3A_440] in [0] : vector<16xf32>, vector<16xi32> -> vector<16xf32>
      %min3A_442 = arith.minimumf %min3A_435, %gather3A_441 : vector<16xf32>
      %xor3A_443 = arith.constant 1 : i32
      %xor3A_444 = vector.broadcast %xor3A_443 : i32 to vector<16xi32>
      %xor3A_445 = arith.xori %iota3A_421, %xor3A_444 : vector<16xi32>
      %broadcast_in_dim3A_446 = vector.shape_cast %xor3A_445 : vector<16xi32> to vector<16x1xi32>
      %gather3A_447 = vector.shape_cast %broadcast_in_dim3A_446 : vector<16x1xi32> to vector<16xi32>
      %gather3A_448 = tpu.dynamic_gather %min3A_442[%gather3A_447] in [0] : vector<16xf32>, vector<16xi32> -> vector<16xf32>
      %min3A_449 = arith.minimumf %min3A_442, %gather3A_448 : vector<16xf32>
      %slice3A_450 = vector.extract_strided_slice %min3A_449 {offsets = [0], sizes = [1], strides = [1]} : vector<16xf32> to vector<1xf32>
      %squeeze3A_451 = vector.extract %slice3A_450[0] : f32 from vector<1xf32>
      %add3A_452 = arith.addf %add3A_420, %squeeze3A_451 : f32
      %iota3A_453 = tpu.iota {dimensions = array<i32: 0>} : vector<16xi32>
      %xor3A_454 = arith.constant 8 : i32
      %xor3A_455 = vector.broadcast %xor3A_454 : i32 to vector<16xi32>
      %xor3A_456 = arith.xori %iota3A_453, %xor3A_455 : vector<16xi32>
      %broadcast_in_dim3A_457 = vector.shape_cast %xor3A_456 : vector<16xi32> to vector<16x1xi32>
      %gather3A_458 = vector.shape_cast %broadcast_in_dim3A_457 : vector<16x1xi32> to vector<16xi32>
      %gather3A_459 = tpu.dynamic_gather %scan3A_166#9[%gather3A_458] in [0] : vector<16xf32>, vector<16xi32> -> vector<16xf32>
      %min3A_460 = arith.minimumf %scan3A_166#9, %gather3A_459 : vector<16xf32>
      %xor3A_461 = arith.constant 4 : i32
      %xor3A_462 = vector.broadcast %xor3A_461 : i32 to vector<16xi32>
      %xor3A_463 = arith.xori %iota3A_453, %xor3A_462 : vector<16xi32>
      %broadcast_in_dim3A_464 = vector.shape_cast %xor3A_463 : vector<16xi32> to vector<16x1xi32>
      %gather3A_465 = vector.shape_cast %broadcast_in_dim3A_464 : vector<16x1xi32> to vector<16xi32>
      %gather3A_466 = tpu.dynamic_gather %min3A_460[%gather3A_465] in [0] : vector<16xf32>, vector<16xi32> -> vector<16xf32>
      %min3A_467 = arith.minimumf %min3A_460, %gather3A_466 : vector<16xf32>
      %xor3A_468 = arith.constant 2 : i32
      %xor3A_469 = vector.broadcast %xor3A_468 : i32 to vector<16xi32>
      %xor3A_470 = arith.xori %iota3A_453, %xor3A_469 : vector<16xi32>
      %broadcast_in_dim3A_471 = vector.shape_cast %xor3A_470 : vector<16xi32> to vector<16x1xi32>
      %gather3A_472 = vector.shape_cast %broadcast_in_dim3A_471 : vector<16x1xi32> to vector<16xi32>
      %gather3A_473 = tpu.dynamic_gather %min3A_467[%gather3A_472] in [0] : vector<16xf32>, vector<16xi32> -> vector<16xf32>
      %min3A_474 = arith.minimumf %min3A_467, %gather3A_473 : vector<16xf32>
      %xor3A_475 = arith.constant 1 : i32
      %xor3A_476 = vector.broadcast %xor3A_475 : i32 to vector<16xi32>
      %xor3A_477 = arith.xori %iota3A_453, %xor3A_476 : vector<16xi32>
      %broadcast_in_dim3A_478 = vector.shape_cast %xor3A_477 : vector<16xi32> to vector<16x1xi32>
      %gather3A_479 = vector.shape_cast %broadcast_in_dim3A_478 : vector<16x1xi32> to vector<16xi32>
      %gather3A_480 = tpu.dynamic_gather %min3A_474[%gather3A_479] in [0] : vector<16xf32>, vector<16xi32> -> vector<16xf32>
      %min3A_481 = arith.minimumf %min3A_474, %gather3A_480 : vector<16xf32>
      %slice3A_482 = vector.extract_strided_slice %min3A_481 {offsets = [0], sizes = [1], strides = [1]} : vector<16xf32> to vector<1xf32>
      %squeeze3A_483 = vector.extract %slice3A_482[0] : f32 from vector<1xf32>
      %add3A_484 = arith.addf %add3A_452, %squeeze3A_483 : f32
      %iota3A_485 = tpu.iota {dimensions = array<i32: 0>} : vector<16xi32>
      %xor3A_486 = arith.constant 8 : i32
      %xor3A_487 = vector.broadcast %xor3A_486 : i32 to vector<16xi32>
      %xor3A_488 = arith.xori %iota3A_485, %xor3A_487 : vector<16xi32>
      %broadcast_in_dim3A_489 = vector.shape_cast %xor3A_488 : vector<16xi32> to vector<16x1xi32>
      %gather3A_490 = vector.shape_cast %broadcast_in_dim3A_489 : vector<16x1xi32> to vector<16xi32>
      %gather3A_491 = tpu.dynamic_gather %scan3A_166#10[%gather3A_490] in [0] : vector<16xf32>, vector<16xi32> -> vector<16xf32>
      %min3A_492 = arith.minimumf %scan3A_166#10, %gather3A_491 : vector<16xf32>
      %xor3A_493 = arith.constant 4 : i32
      %xor3A_494 = vector.broadcast %xor3A_493 : i32 to vector<16xi32>
      %xor3A_495 = arith.xori %iota3A_485, %xor3A_494 : vector<16xi32>
      %broadcast_in_dim3A_496 = vector.shape_cast %xor3A_495 : vector<16xi32> to vector<16x1xi32>
      %gather3A_497 = vector.shape_cast %broadcast_in_dim3A_496 : vector<16x1xi32> to vector<16xi32>
      %gather3A_498 = tpu.dynamic_gather %min3A_492[%gather3A_497] in [0] : vector<16xf32>, vector<16xi32> -> vector<16xf32>
      %min3A_499 = arith.minimumf %min3A_492, %gather3A_498 : vector<16xf32>
      %xor3A_500 = arith.constant 2 : i32
      %xor3A_501 = vector.broadcast %xor3A_500 : i32 to vector<16xi32>
      %xor3A_502 = arith.xori %iota3A_485, %xor3A_501 : vector<16xi32>
      %broadcast_in_dim3A_503 = vector.shape_cast %xor3A_502 : vector<16xi32> to vector<16x1xi32>
      %gather3A_504 = vector.shape_cast %broadcast_in_dim3A_503 : vector<16x1xi32> to vector<16xi32>
      %gather3A_505 = tpu.dynamic_gather %min3A_499[%gather3A_504] in [0] : vector<16xf32>, vector<16xi32> -> vector<16xf32>
      %min3A_506 = arith.minimumf %min3A_499, %gather3A_505 : vector<16xf32>
      %xor3A_507 = arith.constant 1 : i32
      %xor3A_508 = vector.broadcast %xor3A_507 : i32 to vector<16xi32>
      %xor3A_509 = arith.xori %iota3A_485, %xor3A_508 : vector<16xi32>
      %broadcast_in_dim3A_510 = vector.shape_cast %xor3A_509 : vector<16xi32> to vector<16x1xi32>
      %gather3A_511 = vector.shape_cast %broadcast_in_dim3A_510 : vector<16x1xi32> to vector<16xi32>
      %gather3A_512 = tpu.dynamic_gather %min3A_506[%gather3A_511] in [0] : vector<16xf32>, vector<16xi32> -> vector<16xf32>
      %min3A_513 = arith.minimumf %min3A_506, %gather3A_512 : vector<16xf32>
      %slice3A_514 = vector.extract_strided_slice %min3A_513 {offsets = [0], sizes = [1], strides = [1]} : vector<16xf32> to vector<1xf32>
      %squeeze3A_515 = vector.extract %slice3A_514[0] : f32 from vector<1xf32>
      %add3A_516 = arith.addf %add3A_484, %squeeze3A_515 : f32
      %iota3A_517 = tpu.iota {dimensions = array<i32: 0>} : vector<16xi32>
      %xor3A_518 = arith.constant 8 : i32
      %xor3A_519 = vector.broadcast %xor3A_518 : i32 to vector<16xi32>
      %xor3A_520 = arith.xori %iota3A_517, %xor3A_519 : vector<16xi32>
      %broadcast_in_dim3A_521 = vector.shape_cast %xor3A_520 : vector<16xi32> to vector<16x1xi32>
      %gather3A_522 = vector.shape_cast %broadcast_in_dim3A_521 : vector<16x1xi32> to vector<16xi32>
      %gather3A_523 = tpu.dynamic_gather %scan3A_166#11[%gather3A_522] in [0] : vector<16xf32>, vector<16xi32> -> vector<16xf32>
      %min3A_524 = arith.minimumf %scan3A_166#11, %gather3A_523 : vector<16xf32>
      %xor3A_525 = arith.constant 4 : i32
      %xor3A_526 = vector.broadcast %xor3A_525 : i32 to vector<16xi32>
      %xor3A_527 = arith.xori %iota3A_517, %xor3A_526 : vector<16xi32>
      %broadcast_in_dim3A_528 = vector.shape_cast %xor3A_527 : vector<16xi32> to vector<16x1xi32>
      %gather3A_529 = vector.shape_cast %broadcast_in_dim3A_528 : vector<16x1xi32> to vector<16xi32>
      %gather3A_530 = tpu.dynamic_gather %min3A_524[%gather3A_529] in [0] : vector<16xf32>, vector<16xi32> -> vector<16xf32>
      %min3A_531 = arith.minimumf %min3A_524, %gather3A_530 : vector<16xf32>
      %xor3A_532 = arith.constant 2 : i32
      %xor3A_533 = vector.broadcast %xor3A_532 : i32 to vector<16xi32>
      %xor3A_534 = arith.xori %iota3A_517, %xor3A_533 : vector<16xi32>
      %broadcast_in_dim3A_535 = vector.shape_cast %xor3A_534 : vector<16xi32> to vector<16x1xi32>
      %gather3A_536 = vector.shape_cast %broadcast_in_dim3A_535 : vector<16x1xi32> to vector<16xi32>
      %gather3A_537 = tpu.dynamic_gather %min3A_531[%gather3A_536] in [0] : vector<16xf32>, vector<16xi32> -> vector<16xf32>
      %min3A_538 = arith.minimumf %min3A_531, %gather3A_537 : vector<16xf32>
      %xor3A_539 = arith.constant 1 : i32
      %xor3A_540 = vector.broadcast %xor3A_539 : i32 to vector<16xi32>
      %xor3A_541 = arith.xori %iota3A_517, %xor3A_540 : vector<16xi32>
      %broadcast_in_dim3A_542 = vector.shape_cast %xor3A_541 : vector<16xi32> to vector<16x1xi32>
      %gather3A_543 = vector.shape_cast %broadcast_in_dim3A_542 : vector<16x1xi32> to vector<16xi32>
      %gather3A_544 = tpu.dynamic_gather %min3A_538[%gather3A_543] in [0] : vector<16xf32>, vector<16xi32> -> vector<16xf32>
      %min3A_545 = arith.minimumf %min3A_538, %gather3A_544 : vector<16xf32>
      %slice3A_546 = vector.extract_strided_slice %min3A_545 {offsets = [0], sizes = [1], strides = [1]} : vector<16xf32> to vector<1xf32>
      %squeeze3A_547 = vector.extract %slice3A_546[0] : f32 from vector<1xf32>
      %add3A_548 = arith.addf %add3A_516, %squeeze3A_547 : f32
      %iota3A_549 = tpu.iota {dimensions = array<i32: 0>} : vector<16xi32>
      %xor3A_550 = arith.constant 8 : i32
      %xor3A_551 = vector.broadcast %xor3A_550 : i32 to vector<16xi32>
      %xor3A_552 = arith.xori %iota3A_549, %xor3A_551 : vector<16xi32>
      %broadcast_in_dim3A_553 = vector.shape_cast %xor3A_552 : vector<16xi32> to vector<16x1xi32>
      %gather3A_554 = vector.shape_cast %broadcast_in_dim3A_553 : vector<16x1xi32> to vector<16xi32>
      %gather3A_555 = tpu.dynamic_gather %scan3A_166#12[%gather3A_554] in [0] : vector<16xf32>, vector<16xi32> -> vector<16xf32>
      %min3A_556 = arith.minimumf %scan3A_166#12, %gather3A_555 : vector<16xf32>
      %xor3A_557 = arith.constant 4 : i32
      %xor3A_558 = vector.broadcast %xor3A_557 : i32 to vector<16xi32>
      %xor3A_559 = arith.xori %iota3A_549, %xor3A_558 : vector<16xi32>
      %broadcast_in_dim3A_560 = vector.shape_cast %xor3A_559 : vector<16xi32> to vector<16x1xi32>
      %gather3A_561 = vector.shape_cast %broadcast_in_dim3A_560 : vector<16x1xi32> to vector<16xi32>
      %gather3A_562 = tpu.dynamic_gather %min3A_556[%gather3A_561] in [0] : vector<16xf32>, vector<16xi32> -> vector<16xf32>
      %min3A_563 = arith.minimumf %min3A_556, %gather3A_562 : vector<16xf32>
      %xor3A_564 = arith.constant 2 : i32
      %xor3A_565 = vector.broadcast %xor3A_564 : i32 to vector<16xi32>
      %xor3A_566 = arith.xori %iota3A_549, %xor3A_565 : vector<16xi32>
      %broadcast_in_dim3A_567 = vector.shape_cast %xor3A_566 : vector<16xi32> to vector<16x1xi32>
      %gather3A_568 = vector.shape_cast %broadcast_in_dim3A_567 : vector<16x1xi32> to vector<16xi32>
      %gather3A_569 = tpu.dynamic_gather %min3A_563[%gather3A_568] in [0] : vector<16xf32>, vector<16xi32> -> vector<16xf32>
      %min3A_570 = arith.minimumf %min3A_563, %gather3A_569 : vector<16xf32>
      %xor3A_571 = arith.constant 1 : i32
      %xor3A_572 = vector.broadcast %xor3A_571 : i32 to vector<16xi32>
      %xor3A_573 = arith.xori %iota3A_549, %xor3A_572 : vector<16xi32>
      %broadcast_in_dim3A_574 = vector.shape_cast %xor3A_573 : vector<16xi32> to vector<16x1xi32>
      %gather3A_575 = vector.shape_cast %broadcast_in_dim3A_574 : vector<16x1xi32> to vector<16xi32>
      %gather3A_576 = tpu.dynamic_gather %min3A_570[%gather3A_575] in [0] : vector<16xf32>, vector<16xi32> -> vector<16xf32>
      %min3A_577 = arith.minimumf %min3A_570, %gather3A_576 : vector<16xf32>
      %slice3A_578 = vector.extract_strided_slice %min3A_577 {offsets = [0], sizes = [1], strides = [1]} : vector<16xf32> to vector<1xf32>
      %squeeze3A_579 = vector.extract %slice3A_578[0] : f32 from vector<1xf32>
      %add3A_580 = arith.addf %add3A_548, %squeeze3A_579 : f32
      %iota3A_581 = tpu.iota {dimensions = array<i32: 0>} : vector<16xi32>
      %xor3A_582 = arith.constant 8 : i32
      %xor3A_583 = vector.broadcast %xor3A_582 : i32 to vector<16xi32>
      %xor3A_584 = arith.xori %iota3A_581, %xor3A_583 : vector<16xi32>
      %broadcast_in_dim3A_585 = vector.shape_cast %xor3A_584 : vector<16xi32> to vector<16x1xi32>
      %gather3A_586 = vector.shape_cast %broadcast_in_dim3A_585 : vector<16x1xi32> to vector<16xi32>
      %gather3A_587 = tpu.dynamic_gather %scan3A_166#13[%gather3A_586] in [0] : vector<16xf32>, vector<16xi32> -> vector<16xf32>
      %min3A_588 = arith.minimumf %scan3A_166#13, %gather3A_587 : vector<16xf32>
      %xor3A_589 = arith.constant 4 : i32
      %xor3A_590 = vector.broadcast %xor3A_589 : i32 to vector<16xi32>
      %xor3A_591 = arith.xori %iota3A_581, %xor3A_590 : vector<16xi32>
      %broadcast_in_dim3A_592 = vector.shape_cast %xor3A_591 : vector<16xi32> to vector<16x1xi32>
      %gather3A_593 = vector.shape_cast %broadcast_in_dim3A_592 : vector<16x1xi32> to vector<16xi32>
      %gather3A_594 = tpu.dynamic_gather %min3A_588[%gather3A_593] in [0] : vector<16xf32>, vector<16xi32> -> vector<16xf32>
      %min3A_595 = arith.minimumf %min3A_588, %gather3A_594 : vector<16xf32>
      %xor3A_596 = arith.constant 2 : i32
      %xor3A_597 = vector.broadcast %xor3A_596 : i32 to vector<16xi32>
      %xor3A_598 = arith.xori %iota3A_581, %xor3A_597 : vector<16xi32>
      %broadcast_in_dim3A_599 = vector.shape_cast %xor3A_598 : vector<16xi32> to vector<16x1xi32>
      %gather3A_600 = vector.shape_cast %broadcast_in_dim3A_599 : vector<16x1xi32> to vector<16xi32>
      %gather3A_601 = tpu.dynamic_gather %min3A_595[%gather3A_600] in [0] : vector<16xf32>, vector<16xi32> -> vector<16xf32>
      %min3A_602 = arith.minimumf %min3A_595, %gather3A_601 : vector<16xf32>
      %xor3A_603 = arith.constant 1 : i32
      %xor3A_604 = vector.broadcast %xor3A_603 : i32 to vector<16xi32>
      %xor3A_605 = arith.xori %iota3A_581, %xor3A_604 : vector<16xi32>
      %broadcast_in_dim3A_606 = vector.shape_cast %xor3A_605 : vector<16xi32> to vector<16x1xi32>
      %gather3A_607 = vector.shape_cast %broadcast_in_dim3A_606 : vector<16x1xi32> to vector<16xi32>
      %gather3A_608 = tpu.dynamic_gather %min3A_602[%gather3A_607] in [0] : vector<16xf32>, vector<16xi32> -> vector<16xf32>
      %min3A_609 = arith.minimumf %min3A_602, %gather3A_608 : vector<16xf32>
      %slice3A_610 = vector.extract_strided_slice %min3A_609 {offsets = [0], sizes = [1], strides = [1]} : vector<16xf32> to vector<1xf32>
      %squeeze3A_611 = vector.extract %slice3A_610[0] : f32 from vector<1xf32>
      %add3A_612 = arith.addf %add3A_580, %squeeze3A_611 : f32
      %iota3A_613 = tpu.iota {dimensions = array<i32: 0>} : vector<16xi32>
      %xor3A_614 = arith.constant 8 : i32
      %xor3A_615 = vector.broadcast %xor3A_614 : i32 to vector<16xi32>
      %xor3A_616 = arith.xori %iota3A_613, %xor3A_615 : vector<16xi32>
      %broadcast_in_dim3A_617 = vector.shape_cast %xor3A_616 : vector<16xi32> to vector<16x1xi32>
      %gather3A_618 = vector.shape_cast %broadcast_in_dim3A_617 : vector<16x1xi32> to vector<16xi32>
      %gather3A_619 = tpu.dynamic_gather %scan3A_166#14[%gather3A_618] in [0] : vector<16xf32>, vector<16xi32> -> vector<16xf32>
      %min3A_620 = arith.minimumf %scan3A_166#14, %gather3A_619 : vector<16xf32>
      %xor3A_621 = arith.constant 4 : i32
      %xor3A_622 = vector.broadcast %xor3A_621 : i32 to vector<16xi32>
      %xor3A_623 = arith.xori %iota3A_613, %xor3A_622 : vector<16xi32>
      %broadcast_in_dim3A_624 = vector.shape_cast %xor3A_623 : vector<16xi32> to vector<16x1xi32>
      %gather3A_625 = vector.shape_cast %broadcast_in_dim3A_624 : vector<16x1xi32> to vector<16xi32>
      %gather3A_626 = tpu.dynamic_gather %min3A_620[%gather3A_625] in [0] : vector<16xf32>, vector<16xi32> -> vector<16xf32>
      %min3A_627 = arith.minimumf %min3A_620, %gather3A_626 : vector<16xf32>
      %xor3A_628 = arith.constant 2 : i32
      %xor3A_629 = vector.broadcast %xor3A_628 : i32 to vector<16xi32>
      %xor3A_630 = arith.xori %iota3A_613, %xor3A_629 : vector<16xi32>
      %broadcast_in_dim3A_631 = vector.shape_cast %xor3A_630 : vector<16xi32> to vector<16x1xi32>
      %gather3A_632 = vector.shape_cast %broadcast_in_dim3A_631 : vector<16x1xi32> to vector<16xi32>
      %gather3A_633 = tpu.dynamic_gather %min3A_627[%gather3A_632] in [0] : vector<16xf32>, vector<16xi32> -> vector<16xf32>
      %min3A_634 = arith.minimumf %min3A_627, %gather3A_633 : vector<16xf32>
      %xor3A_635 = arith.constant 1 : i32
      %xor3A_636 = vector.broadcast %xor3A_635 : i32 to vector<16xi32>
      %xor3A_637 = arith.xori %iota3A_613, %xor3A_636 : vector<16xi32>
      %broadcast_in_dim3A_638 = vector.shape_cast %xor3A_637 : vector<16xi32> to vector<16x1xi32>
      %gather3A_639 = vector.shape_cast %broadcast_in_dim3A_638 : vector<16x1xi32> to vector<16xi32>
      %gather3A_640 = tpu.dynamic_gather %min3A_634[%gather3A_639] in [0] : vector<16xf32>, vector<16xi32> -> vector<16xf32>
      %min3A_641 = arith.minimumf %min3A_634, %gather3A_640 : vector<16xf32>
      %slice3A_642 = vector.extract_strided_slice %min3A_641 {offsets = [0], sizes = [1], strides = [1]} : vector<16xf32> to vector<1xf32>
      %squeeze3A_643 = vector.extract %slice3A_642[0] : f32 from vector<1xf32>
      %add3A_644 = arith.addf %add3A_612, %squeeze3A_643 : f32
      %iota3A_645 = tpu.iota {dimensions = array<i32: 0>} : vector<16xi32>
      %xor3A_646 = arith.constant 8 : i32
      %xor3A_647 = vector.broadcast %xor3A_646 : i32 to vector<16xi32>
      %xor3A_648 = arith.xori %iota3A_645, %xor3A_647 : vector<16xi32>
      %broadcast_in_dim3A_649 = vector.shape_cast %xor3A_648 : vector<16xi32> to vector<16x1xi32>
      %gather3A_650 = vector.shape_cast %broadcast_in_dim3A_649 : vector<16x1xi32> to vector<16xi32>
      %gather3A_651 = tpu.dynamic_gather %scan3A_166#15[%gather3A_650] in [0] : vector<16xf32>, vector<16xi32> -> vector<16xf32>
      %min3A_652 = arith.minimumf %scan3A_166#15, %gather3A_651 : vector<16xf32>
      %xor3A_653 = arith.constant 4 : i32
      %xor3A_654 = vector.broadcast %xor3A_653 : i32 to vector<16xi32>
      %xor3A_655 = arith.xori %iota3A_645, %xor3A_654 : vector<16xi32>
      %broadcast_in_dim3A_656 = vector.shape_cast %xor3A_655 : vector<16xi32> to vector<16x1xi32>
      %gather3A_657 = vector.shape_cast %broadcast_in_dim3A_656 : vector<16x1xi32> to vector<16xi32>
      %gather3A_658 = tpu.dynamic_gather %min3A_652[%gather3A_657] in [0] : vector<16xf32>, vector<16xi32> -> vector<16xf32>
      %min3A_659 = arith.minimumf %min3A_652, %gather3A_658 : vector<16xf32>
      %xor3A_660 = arith.constant 2 : i32
      %xor3A_661 = vector.broadcast %xor3A_660 : i32 to vector<16xi32>
      %xor3A_662 = arith.xori %iota3A_645, %xor3A_661 : vector<16xi32>
      %broadcast_in_dim3A_663 = vector.shape_cast %xor3A_662 : vector<16xi32> to vector<16x1xi32>
      %gather3A_664 = vector.shape_cast %broadcast_in_dim3A_663 : vector<16x1xi32> to vector<16xi32>
      %gather3A_665 = tpu.dynamic_gather %min3A_659[%gather3A_664] in [0] : vector<16xf32>, vector<16xi32> -> vector<16xf32>
      %min3A_666 = arith.minimumf %min3A_659, %gather3A_665 : vector<16xf32>
      %xor3A_667 = arith.constant 1 : i32
      %xor3A_668 = vector.broadcast %xor3A_667 : i32 to vector<16xi32>
      %xor3A_669 = arith.xori %iota3A_645, %xor3A_668 : vector<16xi32>
      %broadcast_in_dim3A_670 = vector.shape_cast %xor3A_669 : vector<16xi32> to vector<16x1xi32>
      %gather3A_671 = vector.shape_cast %broadcast_in_dim3A_670 : vector<16x1xi32> to vector<16xi32>
      %gather3A_672 = tpu.dynamic_gather %min3A_666[%gather3A_671] in [0] : vector<16xf32>, vector<16xi32> -> vector<16xf32>
      %min3A_673 = arith.minimumf %min3A_666, %gather3A_672 : vector<16xf32>
      %slice3A_674 = vector.extract_strided_slice %min3A_673 {offsets = [0], sizes = [1], strides = [1]} : vector<16xf32> to vector<1xf32>
      %squeeze3A_675 = vector.extract %slice3A_674[0] : f32 from vector<1xf32>
      %add3A_676 = arith.addf %add3A_644, %squeeze3A_675 : f32
      scf.yield %add3A_676 : f32
    }
    %scan3A_45 = arith.constant 32 : i32
    "tpu.region"() ({
      %run_scoped3A = tpu.sem_alloc : memref<!tpu.dma_semaphore, #tpu.memory_space<semaphore_mem>>
      %dma_start3A = arith.constant 0 : i32
      %dma_start3A_56 = tpu.memref_slice %arg8[%add3A, %dma_start3A] : memref<32x2048xf32, #tpu.memory_space<hbm>> -> memref<1x2048xf32, #tpu.memory_space<hbm>>
      %dma_start3A_57 = tpu.memref_squeeze %dma_start3A_56 : memref<1x2048xf32, #tpu.memory_space<hbm>> -> memref<2048xf32, #tpu.memory_space<hbm>>
      %dma_start3A_58 = arith.constant 0 : i32
      %dma_start3A_59 = tpu.memref_slice %arg8[%add3A, %dma_start3A_58] : memref<32x2048xf32, #tpu.memory_space<hbm>> -> memref<1x2048xf32, #tpu.memory_space<hbm>>
      %dma_start3A_60 = tpu.memref_squeeze %dma_start3A_59 : memref<1x2048xf32, #tpu.memory_space<hbm>> -> memref<2048xf32, #tpu.memory_space<hbm>>
      tpu.enqueue_dma source(%arg16 : memref<2048xf32, #tpu.memory_space<vmem>>) target(%dma_start3A_60 : memref<2048xf32, #tpu.memory_space<hbm>>) target_semaphore(%run_scoped3A : memref<!tpu.dma_semaphore, #tpu.memory_space<semaphore_mem>>)
      %dma_wait3A = arith.constant 0 : i32
      %dma_wait3A_61 = tpu.memref_slice %arg8[%add3A, %dma_wait3A] : memref<32x2048xf32, #tpu.memory_space<hbm>> -> memref<1x2048xf32, #tpu.memory_space<hbm>>
      %dma_wait3A_62 = tpu.memref_squeeze %dma_wait3A_61 : memref<1x2048xf32, #tpu.memory_space<hbm>> -> memref<2048xf32, #tpu.memory_space<hbm>>
      %dma_wait3A_63 = arith.constant 0 : i32
      %dma_wait3A_64 = tpu.memref_slice %arg8[%add3A, %dma_wait3A_63] : memref<32x2048xf32, #tpu.memory_space<hbm>> -> memref<1x2048xf32, #tpu.memory_space<hbm>>
      %dma_wait3A_65 = tpu.memref_squeeze %dma_wait3A_64 : memref<1x2048xf32, #tpu.memory_space<hbm>> -> memref<2048xf32, #tpu.memory_space<hbm>>
      tpu.wait_dma2 semaphore(%run_scoped3A : memref<!tpu.dma_semaphore, #tpu.memory_space<semaphore_mem>>) src(%arg16 : memref<2048xf32, #tpu.memory_space<vmem>>) dst(%dma_wait3A_65 : memref<2048xf32, #tpu.memory_space<hbm>>)
      tpu.yield
    }) : () -> ()
    %iota3A = tpu.iota {dimensions = array<i32: 0>} : vector<16xi32>
    %eq3A_46 = arith.constant 0 : i32
    %eq3A_47 = vector.broadcast %eq3A_46 : i32 to vector<16xi32>
    %eq3A_48 = arith.cmpi eq, %iota3A, %eq3A_47 : vector<16xi32>
    %jit3A_49 = arith.constant 0.000000e+00 : f32
    %broadcast_in_dim3A_50 = vector.broadcast %scan3A_44 : f32 to vector<16xf32>
    %broadcast_in_dim3A_51 = vector.broadcast %jit3A_49 : f32 to vector<16xf32>
    %select_n3A_52 = arith.select %eq3A_48, %broadcast_in_dim3A_50, %broadcast_in_dim3A_51 : vector<16xi1>, vector<16xf32>
    %swap3A = arith.constant 0 : index
    %swap3A_53 = tpu.vector_load %arg17[%swap3A] {strides = array<i32>} : memref<16xf32, #tpu.memory_space<vmem>>, vector<16xf32>,
    %swap3A_54 = vector.shape_cast %swap3A_53 : vector<16xf32> to vector<16xf32>
    %swap3A_55 = vector.shape_cast %select_n3A_52 : vector<16xf32> to vector<16xf32>
    tpu.vector_store %arg17[%swap3A], %swap3A_55 {strides = array<i32>} : memref<16xf32, #tpu.memory_space<vmem>>, vector<16xf32>,
    "tpu.region"() ({
      %run_scoped3A = tpu.sem_alloc : memref<!tpu.dma_semaphore, #tpu.memory_space<semaphore_mem>>
      %dma_start3A = arith.constant 0 : i32
      %dma_start3A_56 = tpu.memref_slice %arg9[%add3A, %dma_start3A] : memref<32x16xf32, #tpu.memory_space<hbm>> -> memref<1x16xf32, #tpu.memory_space<hbm>>
      %dma_start3A_57 = tpu.memref_squeeze %dma_start3A_56 : memref<1x16xf32, #tpu.memory_space<hbm>> -> memref<16xf32, #tpu.memory_space<hbm>>
      %dma_start3A_58 = arith.constant 0 : i32
      %dma_start3A_59 = tpu.memref_slice %arg9[%add3A, %dma_start3A_58] : memref<32x16xf32, #tpu.memory_space<hbm>> -> memref<1x16xf32, #tpu.memory_space<hbm>>
      %dma_start3A_60 = tpu.memref_squeeze %dma_start3A_59 : memref<1x16xf32, #tpu.memory_space<hbm>> -> memref<16xf32, #tpu.memory_space<hbm>>
      tpu.enqueue_dma source(%arg17 : memref<16xf32, #tpu.memory_space<vmem>>) target(%dma_start3A_60 : memref<16xf32, #tpu.memory_space<hbm>>) target_semaphore(%run_scoped3A : memref<!tpu.dma_semaphore, #tpu.memory_space<semaphore_mem>>)
      %dma_wait3A = arith.constant 0 : i32
      %dma_wait3A_61 = tpu.memref_slice %arg9[%add3A, %dma_wait3A] : memref<32x16xf32, #tpu.memory_space<hbm>> -> memref<1x16xf32, #tpu.memory_space<hbm>>
      %dma_wait3A_62 = tpu.memref_squeeze %dma_wait3A_61 : memref<1x16xf32, #tpu.memory_space<hbm>> -> memref<16xf32, #tpu.memory_space<hbm>>
      %dma_wait3A_63 = arith.constant 0 : i32
      %dma_wait3A_64 = tpu.memref_slice %arg9[%add3A, %dma_wait3A_63] : memref<32x16xf32, #tpu.memory_space<hbm>> -> memref<1x16xf32, #tpu.memory_space<hbm>>
      %dma_wait3A_65 = tpu.memref_squeeze %dma_wait3A_64 : memref<1x16xf32, #tpu.memory_space<hbm>> -> memref<16xf32, #tpu.memory_space<hbm>>
      tpu.wait_dma2 semaphore(%run_scoped3A : memref<!tpu.dma_semaphore, #tpu.memory_space<semaphore_mem>>) src(%arg17 : memref<16xf32, #tpu.memory_space<vmem>>) dst(%dma_wait3A_65 : memref<16xf32, #tpu.memory_space<hbm>>)
      tpu.yield
    }) : () -> ()
    return
  }
}

#map = affine_map<(d0, d1) -> (0, 0)>
#map1 = affine_map<(d0, d1) -> (0)>
module attributes {stable_mosaic.version = 14 : i64} {
  func.func @_stage2(%arg0: i32, %arg1: i32, %arg2: memref<32x2048xf32, #tpu.memory_space<hbm>>, %arg3: memref<32x16xf32, #tpu.memory_space<hbm>>, %arg4: memref<16xf32, #tpu.memory_space<hbm>>, %arg5: memref<32x2048xf32, #tpu.memory_space<vmem>>, %arg6: memref<32x16xf32, #tpu.memory_space<vmem>>, %arg7: memref<16xf32, #tpu.memory_space<vmem>>) attributes {dimension_semantics = [#tpu.dimension_semantics<core_parallel>, #tpu.dimension_semantics<subcore_parallel>], iteration_bounds = array<i64: 2, 16>, scalar_prefetch = 0 : i64, scratch_operands = 3 : i64, tpu.core_type = #tpu.core_type<sc_vector_subcore>, window_params = [{transform_indices = #map}, {transform_indices = #map}, {transform_indices = #map1}]} {
    %mul3A = arith.constant 16 : i32
    %mul3A_0 = arith.muli %arg0, %mul3A : i32
    %add3A = arith.addi %mul3A_0, %arg1 : i32
    %eq3A = arith.constant 0 : i32
    %eq3A_1 = arith.cmpi eq, %add3A, %eq3A : i32
    %convert_element_type3A = arith.extui %eq3A_1 : i1 to i32
    %cond3A = arith.constant 0 : i32
    %cond3A_2 = arith.cmpi ne, %convert_element_type3A, %cond3A : i32
    scf.if %cond3A_2 {
      "tpu.region"() ({
        %run_scoped3A = tpu.sem_alloc : memref<!tpu.dma_semaphore, #tpu.memory_space<semaphore_mem>>
        tpu.enqueue_dma source(%arg2 : memref<32x2048xf32, #tpu.memory_space<hbm>>) target(%arg5 : memref<32x2048xf32, #tpu.memory_space<vmem>>) target_semaphore(%run_scoped3A : memref<!tpu.dma_semaphore, #tpu.memory_space<semaphore_mem>>)
        tpu.wait_dma2 semaphore(%run_scoped3A : memref<!tpu.dma_semaphore, #tpu.memory_space<semaphore_mem>>) src(%arg2 : memref<32x2048xf32, #tpu.memory_space<hbm>>) dst(%arg5 : memref<32x2048xf32, #tpu.memory_space<vmem>>)
        tpu.yield
      }) : () -> ()
      "tpu.region"() ({
        %run_scoped3A = tpu.sem_alloc : memref<!tpu.dma_semaphore, #tpu.memory_space<semaphore_mem>>
        tpu.enqueue_dma source(%arg3 : memref<32x16xf32, #tpu.memory_space<hbm>>) target(%arg6 : memref<32x16xf32, #tpu.memory_space<vmem>>) target_semaphore(%run_scoped3A : memref<!tpu.dma_semaphore, #tpu.memory_space<semaphore_mem>>)
        tpu.wait_dma2 semaphore(%run_scoped3A : memref<!tpu.dma_semaphore, #tpu.memory_space<semaphore_mem>>) src(%arg3 : memref<32x16xf32, #tpu.memory_space<hbm>>) dst(%arg6 : memref<32x16xf32, #tpu.memory_space<vmem>>)
        tpu.yield
      }) : () -> ()
      %broadcast_in_dim3A = arith.constant 0.000000e+00 : f32
      %broadcast_in_dim3A_3 = vector.broadcast %broadcast_in_dim3A : f32 to vector<16xf32>
      %scan3A = arith.constant 0 : i32
      %scan3A_4 = arith.constant 1024 : i32
      %scan3A_5 = arith.addi %scan3A, %scan3A_4 : i32
      %scan3A_6 = arith.constant 1 : i32
      %scan3A_7 = scf.for %scan3A_86 = %scan3A to %scan3A_5 step %scan3A_6 iter_args(%scan3A_87 = %broadcast_in_dim3A_3) -> (vector<16xf32>)  : i32 {
        %jit3A_88 = arith.constant 128 : i32
        %div3A = arith.divsi %scan3A_86, %jit3A_88 : i32
        %sign3A = arith.constant 0 : i32
        %sign3A_89 = arith.cmpi sgt, %scan3A_86, %sign3A : i32
        %sign3A_90 = arith.extui %sign3A_89 : i1 to i32
        %sign3A_91 = arith.constant 0 : i32
        %sign3A_92 = arith.cmpi slt, %scan3A_86, %sign3A_91 : i32
        %sign3A_93 = arith.extui %sign3A_92 : i1 to i32
        %sign3A_94 = arith.subi %sign3A_90, %sign3A_93 : i32
        %sign3A_95 = arith.constant 0 : i32
        %sign3A_96 = arith.cmpi sgt, %jit3A_88, %sign3A_95 : i32
        %sign3A_97 = arith.extui %sign3A_96 : i1 to i32
        %sign3A_98 = arith.constant 0 : i32
        %sign3A_99 = arith.cmpi slt, %jit3A_88, %sign3A_98 : i32
        %sign3A_100 = arith.extui %sign3A_99 : i1 to i32
        %sign3A_101 = arith.subi %sign3A_97, %sign3A_100 : i32
        %ne3A = arith.cmpi ne, %sign3A_94, %sign3A_101 : i32
        %rem3A = arith.remsi %scan3A_86, %jit3A_88 : i32
        %ne3A_102 = arith.constant 0 : i32
        %ne3A_103 = arith.cmpi ne, %rem3A, %ne3A_102 : i32
        %and3A = arith.andi %ne3A, %ne3A_103 : i1
        %sub3A = arith.constant 1 : i32
        %sub3A_104 = arith.subi %div3A, %sub3A : i32
        %select_n3A_105 = arith.select %and3A, %sub3A_104, %div3A : i32
        %jit3A_106 = arith.constant 128 : i32
        %eq3A_107 = arith.constant 0 : i32
        %eq3A_108 = arith.cmpi eq, %jit3A_106, %eq3A_107 : i32
        %jit3A_109 = arith.constant 1 : i32
        %select_n3A_110 = arith.select %eq3A_108, %jit3A_109, %jit3A_106 : i32
        %rem3A_111 = arith.remsi %scan3A_86, %select_n3A_110 : i32
        %ne3A_112 = arith.constant 0 : i32
        %ne3A_113 = arith.cmpi ne, %rem3A_111, %ne3A_112 : i32
        %lt3A = arith.constant 0 : i32
        %lt3A_114 = arith.cmpi slt, %rem3A_111, %lt3A : i32
        %lt3A_115 = arith.constant 0 : i32
        %lt3A_116 = arith.cmpi slt, %select_n3A_110, %lt3A_115 : i32
        %ne3A_117 = arith.xori %lt3A_114, %lt3A_116 : i1
        %and3A_118 = arith.andi %ne3A_117, %ne3A_113 : i1
        %add3A_119 = arith.addi %rem3A_111, %select_n3A_110 : i32
        %select_n3A_120 = arith.select %and3A_118, %add3A_119, %rem3A_111 : i32
        %mul3A_121 = arith.constant 16 : i32
        %mul3A_122 = arith.muli %select_n3A_120, %mul3A_121 : i32
        %mul3A_123 = arith.constant 4 : i32
        %mul3A_124 = arith.muli %select_n3A_105, %mul3A_123 : i32
        %get3A = arith.index_cast %mul3A_124 : i32 to index
        %get3A_125 = arith.index_cast %mul3A_122 : i32 to index
        %get3A_126 = tpu.vector_load %arg5[%get3A, %get3A_125] {strides = array<i32>} : memref<32x2048xf32, #tpu.memory_space<vmem>>, vector<1x16xf32>,
        %get3A_127 = vector.shape_cast %get3A_126 : vector<1x16xf32> to vector<16xf32>
        %add3A_128 = arith.constant 1 : i32
        %add3A_129 = arith.addi %mul3A_124, %add3A_128 : i32
        %get3A_130 = arith.index_cast %add3A_129 : i32 to index
        %get3A_131 = arith.index_cast %mul3A_122 : i32 to index
        %get3A_132 = tpu.vector_load %arg5[%get3A_130, %get3A_131] {strides = array<i32>} : memref<32x2048xf32, #tpu.memory_space<vmem>>, vector<1x16xf32>,
        %get3A_133 = vector.shape_cast %get3A_132 : vector<1x16xf32> to vector<16xf32>
        %min3A = arith.minimumf %get3A_127, %get3A_133 : vector<16xf32>
        %add3A_134 = arith.constant 2 : i32
        %add3A_135 = arith.addi %mul3A_124, %add3A_134 : i32
        %get3A_136 = arith.index_cast %add3A_135 : i32 to index
        %get3A_137 = arith.index_cast %mul3A_122 : i32 to index
        %get3A_138 = tpu.vector_load %arg5[%get3A_136, %get3A_137] {strides = array<i32>} : memref<32x2048xf32, #tpu.memory_space<vmem>>, vector<1x16xf32>,
        %get3A_139 = vector.shape_cast %get3A_138 : vector<1x16xf32> to vector<16xf32>
        %min3A_140 = arith.minimumf %min3A, %get3A_139 : vector<16xf32>
        %add3A_141 = arith.constant 3 : i32
        %add3A_142 = arith.addi %mul3A_124, %add3A_141 : i32
        %get3A_143 = arith.index_cast %add3A_142 : i32 to index
        %get3A_144 = arith.index_cast %mul3A_122 : i32 to index
        %get3A_145 = tpu.vector_load %arg5[%get3A_143, %get3A_144] {strides = array<i32>} : memref<32x2048xf32, #tpu.memory_space<vmem>>, vector<1x16xf32>,
        %get3A_146 = vector.shape_cast %get3A_145 : vector<1x16xf32> to vector<16xf32>
        %min3A_147 = arith.minimumf %min3A_140, %get3A_146 : vector<16xf32>
        %add3A_148 = arith.addf %scan3A_87, %min3A_147 : vector<16xf32>
        scf.yield %add3A_148 : vector<16xf32>
      }
      %scan3A_8 = arith.constant 1024 : i32
      %broadcast_in_dim3A_9 = arith.constant 0.000000e+00 : f32
      %broadcast_in_dim3A_10 = vector.broadcast %broadcast_in_dim3A_9 : f32 to vector<16xf32>
      %scan3A_11 = arith.constant 0 : i32
      %scan3A_12 = arith.constant 32 : i32
      %scan3A_13 = arith.addi %scan3A_11, %scan3A_12 : i32
      %scan3A_14 = arith.constant 1 : i32
      %scan3A_15 = scf.for %scan3A_86 = %scan3A_11 to %scan3A_13 step %scan3A_14 iter_args(%scan3A_87 = %broadcast_in_dim3A_10) -> (vector<16xf32>)  : i32 {
        %get3A = arith.index_cast %scan3A_86 : i32 to index
        %get3A_88 = arith.constant 0 : index
        %get3A_89 = tpu.vector_load %arg6[%get3A, %get3A_88] {strides = array<i32>} : memref<32x16xf32, #tpu.memory_space<vmem>>, vector<1x16xf32>,
        %get3A_90 = vector.shape_cast %get3A_89 : vector<1x16xf32> to vector<16xf32>
        %add3A_91 = arith.addf %scan3A_87, %get3A_90 : vector<16xf32>
        scf.yield %add3A_91 : vector<16xf32>
      }
      %scan3A_16 = arith.constant 32 : i32
      %iota3A = tpu.iota {dimensions = array<i32: 0>} : vector<16xi32>
      %xor3A = arith.constant 8 : i32
      %xor3A_17 = vector.broadcast %xor3A : i32 to vector<16xi32>
      %xor3A_18 = arith.xori %iota3A, %xor3A_17 : vector<16xi32>
      %broadcast_in_dim3A_19 = vector.shape_cast %xor3A_18 : vector<16xi32> to vector<16x1xi32>
      %gather3A = vector.shape_cast %broadcast_in_dim3A_19 : vector<16x1xi32> to vector<16xi32>
      %gather3A_20 = tpu.dynamic_gather %scan3A_7[%gather3A] in [0] : vector<16xf32>, vector<16xi32> -> vector<16xf32>
      %add3A_21 = arith.addf %scan3A_7, %gather3A_20 : vector<16xf32>
      %xor3A_22 = arith.constant 4 : i32
      %xor3A_23 = vector.broadcast %xor3A_22 : i32 to vector<16xi32>
      %xor3A_24 = arith.xori %iota3A, %xor3A_23 : vector<16xi32>
      %broadcast_in_dim3A_25 = vector.shape_cast %xor3A_24 : vector<16xi32> to vector<16x1xi32>
      %gather3A_26 = vector.shape_cast %broadcast_in_dim3A_25 : vector<16x1xi32> to vector<16xi32>
      %gather3A_27 = tpu.dynamic_gather %add3A_21[%gather3A_26] in [0] : vector<16xf32>, vector<16xi32> -> vector<16xf32>
      %add3A_28 = arith.addf %add3A_21, %gather3A_27 : vector<16xf32>
      %xor3A_29 = arith.constant 2 : i32
      %xor3A_30 = vector.broadcast %xor3A_29 : i32 to vector<16xi32>
      %xor3A_31 = arith.xori %iota3A, %xor3A_30 : vector<16xi32>
      %broadcast_in_dim3A_32 = vector.shape_cast %xor3A_31 : vector<16xi32> to vector<16x1xi32>
      %gather3A_33 = vector.shape_cast %broadcast_in_dim3A_32 : vector<16x1xi32> to vector<16xi32>
      %gather3A_34 = tpu.dynamic_gather %add3A_28[%gather3A_33] in [0] : vector<16xf32>, vector<16xi32> -> vector<16xf32>
      %add3A_35 = arith.addf %add3A_28, %gather3A_34 : vector<16xf32>
      %xor3A_36 = arith.constant 1 : i32
      %xor3A_37 = vector.broadcast %xor3A_36 : i32 to vector<16xi32>
      %xor3A_38 = arith.xori %iota3A, %xor3A_37 : vector<16xi32>
      %broadcast_in_dim3A_39 = vector.shape_cast %xor3A_38 : vector<16xi32> to vector<16x1xi32>
      %gather3A_40 = vector.shape_cast %broadcast_in_dim3A_39 : vector<16x1xi32> to vector<16xi32>
      %gather3A_41 = tpu.dynamic_gather %add3A_35[%gather3A_40] in [0] : vector<16xf32>, vector<16xi32> -> vector<16xf32>
      %add3A_42 = arith.addf %add3A_35, %gather3A_41 : vector<16xf32>
      %slice3A = vector.extract_strided_slice %add3A_42 {offsets = [0], sizes = [1], strides = [1]} : vector<16xf32> to vector<1xf32>
      %squeeze3A = vector.extract %slice3A[0] : f32 from vector<1xf32>
      %iota3A_43 = tpu.iota {dimensions = array<i32: 0>} : vector<16xi32>
      %xor3A_44 = arith.constant 8 : i32
      %xor3A_45 = vector.broadcast %xor3A_44 : i32 to vector<16xi32>
      %xor3A_46 = arith.xori %iota3A_43, %xor3A_45 : vector<16xi32>
      %broadcast_in_dim3A_47 = vector.shape_cast %xor3A_46 : vector<16xi32> to vector<16x1xi32>
      %gather3A_48 = vector.shape_cast %broadcast_in_dim3A_47 : vector<16x1xi32> to vector<16xi32>
      %gather3A_49 = tpu.dynamic_gather %scan3A_15[%gather3A_48] in [0] : vector<16xf32>, vector<16xi32> -> vector<16xf32>
      %add3A_50 = arith.addf %scan3A_15, %gather3A_49 : vector<16xf32>
      %xor3A_51 = arith.constant 4 : i32
      %xor3A_52 = vector.broadcast %xor3A_51 : i32 to vector<16xi32>
      %xor3A_53 = arith.xori %iota3A_43, %xor3A_52 : vector<16xi32>
      %broadcast_in_dim3A_54 = vector.shape_cast %xor3A_53 : vector<16xi32> to vector<16x1xi32>
      %gather3A_55 = vector.shape_cast %broadcast_in_dim3A_54 : vector<16x1xi32> to vector<16xi32>
      %gather3A_56 = tpu.dynamic_gather %add3A_50[%gather3A_55] in [0] : vector<16xf32>, vector<16xi32> -> vector<16xf32>
      %add3A_57 = arith.addf %add3A_50, %gather3A_56 : vector<16xf32>
      %xor3A_58 = arith.constant 2 : i32
      %xor3A_59 = vector.broadcast %xor3A_58 : i32 to vector<16xi32>
      %xor3A_60 = arith.xori %iota3A_43, %xor3A_59 : vector<16xi32>
      %broadcast_in_dim3A_61 = vector.shape_cast %xor3A_60 : vector<16xi32> to vector<16x1xi32>
      %gather3A_62 = vector.shape_cast %broadcast_in_dim3A_61 : vector<16x1xi32> to vector<16xi32>
      %gather3A_63 = tpu.dynamic_gather %add3A_57[%gather3A_62] in [0] : vector<16xf32>, vector<16xi32> -> vector<16xf32>
      %add3A_64 = arith.addf %add3A_57, %gather3A_63 : vector<16xf32>
      %xor3A_65 = arith.constant 1 : i32
      %xor3A_66 = vector.broadcast %xor3A_65 : i32 to vector<16xi32>
      %xor3A_67 = arith.xori %iota3A_43, %xor3A_66 : vector<16xi32>
      %broadcast_in_dim3A_68 = vector.shape_cast %xor3A_67 : vector<16xi32> to vector<16x1xi32>
      %gather3A_69 = vector.shape_cast %broadcast_in_dim3A_68 : vector<16x1xi32> to vector<16xi32>
      %gather3A_70 = tpu.dynamic_gather %add3A_64[%gather3A_69] in [0] : vector<16xf32>, vector<16xi32> -> vector<16xf32>
      %add3A_71 = arith.addf %add3A_64, %gather3A_70 : vector<16xf32>
      %slice3A_72 = vector.extract_strided_slice %add3A_71 {offsets = [0], sizes = [1], strides = [1]} : vector<16xf32> to vector<1xf32>
      %squeeze3A_73 = vector.extract %slice3A_72[0] : f32 from vector<1xf32>
      %add3A_74 = arith.addf %squeeze3A, %squeeze3A_73 : f32
      %mul3A_75 = arith.constant 6.10351563E-5 : f32
      %mul3A_76 = arith.mulf %add3A_74, %mul3A_75 : f32
      %iota3A_77 = tpu.iota {dimensions = array<i32: 0>} : vector<16xi32>
      %eq3A_78 = arith.constant 0 : i32
      %eq3A_79 = vector.broadcast %eq3A_78 : i32 to vector<16xi32>
      %eq3A_80 = arith.cmpi eq, %iota3A_77, %eq3A_79 : vector<16xi32>
      %jit3A = arith.constant 0.000000e+00 : f32
      %broadcast_in_dim3A_81 = vector.broadcast %mul3A_76 : f32 to vector<16xf32>
      %broadcast_in_dim3A_82 = vector.broadcast %jit3A : f32 to vector<16xf32>
      %select_n3A = arith.select %eq3A_80, %broadcast_in_dim3A_81, %broadcast_in_dim3A_82 : vector<16xi1>, vector<16xf32>
      %swap3A = arith.constant 0 : index
      %swap3A_83 = tpu.vector_load %arg7[%swap3A] {strides = array<i32>} : memref<16xf32, #tpu.memory_space<vmem>>, vector<16xf32>,
      %swap3A_84 = vector.shape_cast %swap3A_83 : vector<16xf32> to vector<16xf32>
      %swap3A_85 = vector.shape_cast %select_n3A : vector<16xf32> to vector<16xf32>
      tpu.vector_store %arg7[%swap3A], %swap3A_85 {strides = array<i32>} : memref<16xf32, #tpu.memory_space<vmem>>, vector<16xf32>,
      "tpu.region"() ({
        %run_scoped3A = tpu.sem_alloc : memref<!tpu.dma_semaphore, #tpu.memory_space<semaphore_mem>>
        tpu.enqueue_dma source(%arg7 : memref<16xf32, #tpu.memory_space<vmem>>) target(%arg4 : memref<16xf32, #tpu.memory_space<hbm>>) target_semaphore(%run_scoped3A : memref<!tpu.dma_semaphore, #tpu.memory_space<semaphore_mem>>)
        tpu.wait_dma2 semaphore(%run_scoped3A : memref<!tpu.dma_semaphore, #tpu.memory_space<semaphore_mem>>) src(%arg7 : memref<16xf32, #tpu.memory_space<vmem>>) dst(%arg4 : memref<16xf32, #tpu.memory_space<hbm>>)
        tpu.yield
      }) : () -> ()
    } else {
    }
    return
  }
}

</mosaic_0001>

<sc_bundles>
// kernel: kernel.4.cloned.1.call-start
scs
__scs_entry_jumppad:
0x0: {  	(pc) =	sbr.rel $0x88, $3  }
0x1: {  	(tag) =	ssettag $0x0;
	lr =	simm.s32 $0x1  }
0x2: {  	[smem:$0x3F9F] =	sst lr;
	_ =	strace $0xD0000000  }
0x3: {  	_ = 	snop  }
0x4: {  	_ = 	snop  }
0x5: {  	_ = 	snop  }
0x6: {  	_ = 	snop  }
0x7: {  	_ = 	snop  }
__scs_overlays_trampoline_lowered:
0x8: {  	[smem:$0x3FAE] =	sst s0  }
0x9: {  	[smem:$0x3FAF] =	sst s1  }
0xa: {  	[smem:$0x3FB0] =	sst s2  }
0xb: {  	[smem:$0x3FB1] =	sst s3  }
0xc: {  	[smem:$0x3FB2] =	sst s4  }
0xd: {  	[smem:$0x3FB3] =	sst s5  }
0xe: {  	[smem:$0x3FB4] =	sst s6  }
0xf: {  	[smem:$0x3FB5] =	sst s7  }
0x10: {  	[smem:$0x3FB6] =	sst s8  }
0x11: {  	[smem:$0x3FB7] =	sst s9;
	s0 =	simm.s32 @!p0 $0x0  }
0x12: {  	s1 =	sld [smem:$0x3F9D];
	s0 =	simm.s32 @p0 $0x1  }
0x13: {  	[smem:$0x3FB8] =	sst s0;
	s0 =	simm.s32 @!p1 $0x0  }
0x14: {  	s2 =	sld [smem:$0x3F9C];
	s0 =	simm.s32 @p1 $0x1  }
0x15: {  	[smem:$0x3FB9] =	sst s0;
	s0 =	simm.s32 @!p2 $0x0  }
0x16: {  	s3 =	sld [smem:$0x3FDB];
	s0 =	simm.s32 @p2 $0x1  }
0x17: {  	s4 =	simm.s32 $0x1BF5;
	[smem:$0x3FBB] =	sst s0  }
0x18: {  	s0 =	sld [smem:$0x3F9E];
	_ =	swait.ge [sflag:s4], $0x0  }
0x19: {  	s7 =	sld [smem:$0x3F9F]  }
0x1a: {  	s8 =	sadd.s32 $0xFFFFE003, lr  }
0x1b: {  	s9 =	sadd.s32 $0xFFFFFEF7, lr;
	s5 =	simm.s32 $0xFFFFFFFF;
	p2 =	slt.u32 s8, $0xFFFFF086  }
0x1c: {  	p1 =	slt.u32 s9, $0xF7A;
	s5 =	simm.s32 @!p2 $0x0  }
0x1d: {  	s5 =	simm.s32 @p1 $0x1;
	p0 =	seq.s32 s7, s2  }
0x1e: {  	s7 =	smul.u32 @!p0 $0xF7A, s2;
	p2 =	seq.s32 @!p0 s5, $0x0  }
0x1f: {  	s9 =	smul.u32 $0xF7A, s1;
	s8 =	simm.s32 @!p0 $0x1BF5;
	p2 =	por !p2, p0  }
0x20: {  	[sflag:s8] =	ssyncset.s32 @!p0 $0xFFFFF086;
	s6 =	sadd.s32 @!p0 s3, s7;
	s7 =	simm.s32 @!p0 $0x108  }
0x21: {  	s3 =	sadd.s32 s3, s9;
	s6 =	sadd.s32 @!p0 $0x88, s6;
	s7 =	simm.s32 @p2 $0x1082  }
0x22: {  	[simem:s7], [sflag:s8] =	dma.local @!p0 [hbm:s6], $0xF7A  }
0x23: {  	s9 =	sor.u32 $0xD0000000, s2;
	s6 =	simm.s32 $0x108;
	_ =	swait.ge @!p0 [sflag:s8], $0x0  }
0x24: {  	s3 =	sadd.s32 $0x88, s3;
	s6 =	simm.s32 @!p1 $0x1082;
	[sflag:s4] =	ssyncset.s32 $0xFFFFF086  }
0x25: {  	[simem:s6], [sflag:s4] =	dma.local [hbm:s3], $0xF7A  }
0x26: {  	[smem:$0x3F9F] =	sst s1;
	(tag) =	ssettag s2;
	_ =	strace s9  }
0x27: {  	s1 =	sld [smem:$0x3FAF]  }
0x28: {  	s2 =	sld [smem:$0x3FB0]  }
0x29: {  	s4 =	sld [smem:$0x3FB2]  }
0x2a: {  	p0 =	seq.s32 s5, $0x0;
	s5 =	sld [smem:$0x3FB3]  }
0x2b: {  	s6 =	sld [smem:$0x3FB4]  }
0x2c: {  	s7 =	sld [smem:$0x3FB5]  }
0x2d: {  	s3 =	simm.s32 $0x108;
	s8 =	sld [smem:$0x3FB6]  }
0x2e: {  	s3 =	simm.s32 @!p0 $0x1082;
	s9 =	sld [smem:$0x3FB7]  }
0x2f: {  	lr =	sadd.s32 s0, s3;
	s0 =	sld [smem:$0x3FAE]  }
0x30: {  	s3 =	sld [smem:$0x3FB1]  }
0x31: {  	[smem:$0x3FBA] =	sst s10  }
0x32: {  	s10 =	sld [smem:$0x3FB8];
	_ =	sdelay $0x3  }
0x33: {  	p0 =	seq.s32 s10, $0x1;
	s10 =	sld [smem:$0x3FBA];
	_ =	sdelay $0x3  }
0x34: {  	[smem:$0x3FBA] =	sst s10  }
0x35: {  	s10 =	sld [smem:$0x3FB9];
	_ =	sdelay $0x3  }
0x36: {  	p1 =	seq.s32 s10, $0x1;
	s10 =	sld [smem:$0x3FBA];
	_ =	sdelay $0x3  }
0x37: {  	[smem:$0x3FBA] =	sst s10  }
0x38: {  	s10 =	sld [smem:$0x3FBB]  }
0x39: {  	_ = 	snop;
	(pc) =	sbr.ind lr, $3  }
0x3a: {  	_ = 	snop  }
0x3b: {  	_ = 	snop  }
0x3c: {  	p2 =	seq.s32 s10, $0x1;
	s10 =	sld [smem:$0x3FBA]  }
0x3d: {  	_ =	shalt  }
0x3e: {  	_ =	shalt  }
0x3f: {  	_ =	shalt  }
0x40: {  	_ =	shalt  }
0x41: {  	_ =	shalt  }
0x42: {  	_ =	shalt  }
0x43: {  	_ =	shalt  }
0x44: {  	_ =	shalt  }
0x45: {  	_ =	shalt  }
0x46: {  	_ =	shalt  }
0x47: {  	_ =	shalt  }
0x48: {  	_ =	shalt  }
0x49: {  	_ =	shalt  }
0x4a: {  	_ =	shalt  }
0x4b: {  	_ =	shalt  }
0x4c: {  	_ =	shalt  }
0x4d: {  	_ =	shalt  }
0x4e: {  	_ =	shalt  }
0x4f: {  	_ =	shalt  }
0x50: {  	_ =	shalt  }
0x51: {  	_ =	shalt  }
0x52: {  	_ =	shalt  }
0x53: {  	_ =	shalt  }
0x54: {  	_ =	shalt  }
0x55: {  	_ =	shalt  }
0x56: {  	_ =	shalt  }
0x57: {  	_ =	shalt  }
0x58: {  	_ =	shalt  }
0x59: {  	_ =	shalt  }
0x5a: {  	_ =	shalt  }
0x5b: {  	_ =	shalt  }
0x5c: {  	_ =	shalt  }
0x5d: {  	_ =	shalt  }
0x5e: {  	_ =	shalt  }
0x5f: {  	_ =	shalt  }
0x60: {  	_ =	shalt  }
0x61: {  	_ =	shalt  }
0x62: {  	_ =	shalt  }
0x63: {  	_ =	shalt  }
0x64: {  	_ =	shalt  }
0x65: {  	_ =	shalt  }
0x66: {  	_ =	shalt  }
0x67: {  	_ =	shalt  }
0x68: {  	_ =	shalt  }
0x69: {  	_ =	shalt  }
0x6a: {  	_ =	shalt  }
0x6b: {  	_ =	shalt  }
0x6c: {  	_ =	shalt  }
0x6d: {  	_ =	shalt  }
0x6e: {  	_ =	shalt  }
0x6f: {  	_ =	shalt  }
0x70: {  	_ =	shalt  }
0x71: {  	_ =	shalt  }
0x72: {  	_ =	shalt  }
0x73: {  	_ =	shalt  }
0x74: {  	_ =	shalt  }
0x75: {  	_ =	shalt  }
0x76: {  	_ =	shalt  }
0x77: {  	_ =	shalt  }
0x78: {  	_ =	shalt  }
0x79: {  	_ =	shalt  }
0x7a: {  	_ =	shalt  }
0x7b: {  	_ =	shalt  }
0x7c: {  	_ =	shalt  }
0x7d: {  	_ =	shalt  }
0x7e: {  	_ =	shalt  }
0x7f: {  	_ =	shalt  }
0x80: {  	_ =	shalt  }
0x81: {  	_ =	shalt  }
0x82: {  	_ =	shalt  }
0x83: {  	_ =	shalt  }
0x84: {  	_ =	shalt  }
0x85: {  	_ =	shalt  }
0x86: {  	_ =	shalt  }
0x87: {  	_ =	shalt  }
.Lfunc_end0:
.L_simem_size_0:
called_computation_lowered:
.L_overlay_start_0:
0x88: {  	s2 =	sld [smem:$0x3FD9]  }
0x89: {  	s3 =	sld [smem:$0x3FFE];
	_ =	sdelay $0x1  }
0x8a: {  	s1 =	srdreg.scid  }
0x8b: {  	s0 =	sand.u32 $0x1, s1  }
0x8c: {  	s16 =	sshll.u32 s0, $0xA;
	s2 =	sadd.s32 s3, s2  }
0x8d: {  	s2 =	sadd.s32 s2, s16  }
0x8e: {  	[smem:$0x3FC6] =	sst s2  }
0x8f: {  	_ = 	snop  }
0x90: {  	(tm) =	ssettm $0x1  }
0x91: {  	s17 =	sld [smem:$0x3FFB];
	_ =	sdelay $0x3  }
0x92: {  	_ =	strace s17  }
0x93: {  	s2 =	sld [smem:$0x3FFC];
	_ =	sdelay $0x3  }
0x94: {  	_ =	strace s2  }
0x95: {  	s2 =	sld [smem:$0x3FFD];
	_ =	sdelay $0x3  }
0x96: {  	_ =	strace s2  }
0x97: {  	_ =	strace $0x8FFFFFFF  }
0x98: {  	s18 =	sld [smem:$0x3FDB];
	_ =	sdelay $0x1  }
0x99: {  	s19 =	simm.s32 $_scs_section_size  }
0x9a: {  	s4 =	simm.s32 $_size__tile_overlayer_lowered;
	s5 =	simm.s32 $_tile_overlayer_lowered  }
0x9b: {  	s22 =	simm.s32 $0x1BFF;
	s21 =	sshll.u32 s5, $0x1;
	s2 =	sadd.s32 s19, s18  }
0x9c: {  	s6 =	simm.s32 $0x0;
	s20 =	sshll.u32 s4, $0x1;
	s4 =	sadd.s32 s21, s2  }
0x9d: {  	[timem:s6], [sflag:s22] =	dma.local [hbm:s4], s20  }
0x9e: {  	_ =	swait.ge [sflag:s22], s20  }
0x9f: {  	s3 =	ssub.s32 $0x0, s20;
	[sflag:s22] =	ssyncset.done $0x0  }
0xa0: {  	[sflag:s22] =	ssyncadd.s32 s3;
	_ =	sdelay $0x1  }
0xa1: {  	s23 =	simm.s32 $0x1B8B  }
0xa2: {  	_ =	swait.ge [sflag:s23], $0x1  }
0xa3: {  	[sflag:s23] =	ssyncset.done $0x0  }
0xa4: {  	s25 =	simm.s32 $0x1B8E;
	s24 =	sld [smem:$0x3FFE];
	[sflag:s23] =	ssyncadd.s32 $0xFFFFFFFF  }
0xa5: {  	s26 =	simm.s32 $execute0_lowered;
	[smem:$0x3FD2] =	sst s25  }
0xa6: {  	s4 =	sshll.u32 s26, $0x1;
	_ =	strace $0x80000046;
	[dreg:$0x1] =	wrdreg $0xFFFFFFFF  }
0xa7: {  	s28 =	simm.s32 $_size_execute0_lowered;
	s2 =	sadd.s32 s2, s4;
	[dreg:$0x0] =	wrdreg $0x0  }
0xa8: {  	s4 =	sshll.u32 s28, $0x1;
	[dreg:$0x2] =	wrdreg s2  }
0xa9: {  	[dreg:$0x3] =	wrdreg s4  }
0xaa: {  	[dreg:$0x4] =	wrdreg $0xC0  }
0xab: {  	_ =	task [dreg:s6], $0x5FFFF  }
0xac: {  	[dreg:$0x1] =	wrdreg $0xFFFFFFFF  }
0xad: {  	[dreg:$0x0] =	wrdreg $0x60  }
0xae: {  	[dreg:$0x2] =	wrdreg s24  }
0xaf: {  	[dreg:$0x3] =	wrdreg $0x9  }
0xb0: {  	_ =	task.clear_ibuf [dreg:s6], $0x4FFFF;
	_ =	strace $0x90000046  }
0xb1: {  	s29 =	simm.s32 $0x9;
	_ =	strace $0x80000048  }
0xb2: {  	_ =	swait.ge [sflag:s29], $0x1  }
0xb3: {  	[sflag:s29] =	ssyncadd.s32 $0xFFFFFFFF  }
0xb4: {  	_ =	strace $0x90000048  }
0xb5: {  	_ =	sfence  }
0xb6: {  	s30 =	sld [smem:$0x0];
	_ =	sdelay $0x2  }
0xb7: {  	s31 =	sshll.u32 s1, $0xD;
	s1 =	sshrl.u32 s1, $0x2  }
0xb8: {  	s3 =	sand.u32 $0x4000, s31;
	s1 =	sadd.s32 s1, s30  }
0xb9: {  	s0 =	sor.u32 s3, s0;
	s1 =	sshll.u32 s1, $0x11  }
0xba: {  	s0 =	sor.u32 s1, s0  }
0xbb: {  	s0 =	sadd.s32 $0x8F2B, s0  }
0xbc: {  	[sflag:s0] =	ssyncadd.remote.s32 $0x1  }
0xbd: {  	_ =	sfence.sel $0xFFFF  }
0xbe: {  	[dreg:$0x0] =	wrdreg $0xFFFFFFFF;
	(pc) =	sbr.abs _section_cstart, $3  }
0xbf: {  	[dreg:$0x1] =	wrdreg $0xFFFFFFFF  }
0xc0: {  	_ =	task.clear_ibuf [dreg:s6], $0x2FFFF;
	_ =	strace $0x9FFFFFFF  }
0xc1: {  	(tm) =	ssettm $0x7FFFFFFF  }
tec
execute0_lowered:
.L_overlay_start_1:
0x0: {  	(tag) =	ssettag $0x1  }
0x1: {  	s0 =	srdreg.scid;
	s6 =	rddreg [dreg:$0x0];
	s15 =	simm.s32 $0x200  }
0x2: {  	s16 =	simm.s32 $0x600;
	s17 =	simm.s32 $0xE00;
	s18 =	simm.s32 $0x1600  }
0x3: {  	s19 =	simm.s32 $0x1E00;
	s20 =	simm.s32 $0x2600;
	s4 =	sand.u32 $0x1, s0  }
0x4: {  	s21 =	simm.s32 $0x0;
	s0 =	stileid.u32;
	s1 =	sshll.u32 s4, $0x4  }
0x5: {  	s5 =	sand.u32 $0x3, s0;
	s26 =	sshll.u32 s0, $0x7;
	s3 =	sor.u32 s0, s1  }
0x6: {  	s4 =	ssub.s32 $0x2, s4;
	p1 =	sne.s32 s5, $0x0;
	p0 =	seq.s32 s3, $0x0  }
0x7: {  	s1 =	simm.s32 $0x1;
	s5 =	sshll.u32 s5, $0xC;
	p0 =	por !p1, !p0  }
0x8: {  	v0 =	vimm.s32 $0xFEDCBA98;
	v1 =	vimm.s32 $0x76543210;
	v2 =	vimm.s32 $0xBA98FEDC;
	s30 =	sshrl.u32 s4, $0x1;
	s2 =	sshrl.u32 s3, $0x2;
	p0 =	por !p0, !p0  }
0x9: {  	v3 =	vimm.s32 $0x32107654;
	v4 =	vimm.s32 $0xDCFE98BA;
	v5 =	vimm.s32 $0x54761032;
	s3 =	sshrl.u32 s3, $0x3;
	s14 =	ssub.s32 s4, s30;
	s1 =	simm.s32 @!p0 $0x0  }
0xa: {  	v6 =	vimm.s32 $0xEFCDAB89;
	v7 =	vimm.s32 $0x67452301;
	v0 =	vunpack.c.l.s4.s8 v0;
	s9 =	sshll.u32 s3, $0xE;
	s10 =	sshll.u32 s3, $0xA;
	s1 =	ssub.s32 s2, s1  }
0xb: {  	v1 =	vunpack.c.l.s4.s8 v1;
	v2 =	vunpack.c.l.s4.s8 v2;
	v3 =	vunpack.c.l.s4.s8 v3;
	s2 =	sshll.u32 s1, $0xB;
	s7 =	sshll.u32 s1, $0x7;
	s1 =	rddreg [dreg:$0x1]  }
0xc: {  	v4 =	vunpack.c.l.s4.s8 v4;
	v5 =	vunpack.c.l.s4.s8 v5;
	v6 =	vunpack.c.l.s4.s8 v6;
	s8 =	sand.u32 $0xFFFFC000, s2;
	s7 =	sand.u32 $0x380, s7;
	s2 =	simm.s32 $0x0  }
0xd: {  	v7 =	vunpack.c.l.s4.s8 v7;
	v0 =	vunpack.c.0.s8.s32 v0;
	v2 =	vunpack.c.0.s8.s32 v2;
	s3 =	simm.s32 $0x1;
	s7 =	sor.u32 s7, s8;
	[smem:$0x7FF] =	sst s2  }
0xe: {  	v3 =	vunpack.c.0.s8.s32 v3;
	v4 =	vunpack.c.0.s8.s32 v4;
	v1 =	vunpack.c.0.s8.s32 v1;
	s8 =	sand.u32 $0x380, s26;
	s5 =	sor.u32 s5, s7;
	_ =	strace $0x80000047  }
0xf: {  	v5 =	vunpack.c.0.s8.s32 v5;
	v6 =	vunpack.c.0.s8.s32 v6;
	v0 =	vand.u32 $0xF, v0;
	s7 =	sshrl.u32 s7, $0x3;
	s28 =	sor.u32 s8, s9;
	s29 =	sor.u32 s8, s10  }
0x10: {  	v7 =	vunpack.c.0.s8.s32 v7;
	v2 =	vcombine.low v3, v2;
	v0 =	vcombine.low v0, v1;
	s5 =	sshrl.u32 s5, $0x3;
	s12 =	sadd.s32 s7, s6;
	s7 =	sshrl.u32 s29, $0x3  }
0x11: {  	v3 =	vcombine.low v5, v4;
	s11 =	sadd.s32 s5, s6;
	s5 =	sshrl.u32 s28, $0x3;
	s13 =	sadd.s32 s7, s6  }
0x12: {  	v4 =	vcombine.low v7, v6;
	v61 =	vand.u32 $0xF, v2;
	[tilespmem:$0x1FFC0] =	vst v0;
	s7 =	sadd.s32 $0x1E00, s12;
	s8 =	sadd.s32 $0x1600, s12;
	s9 =	sadd.s32 $0xE00, s12  }
0x13: {  	v62 =	vand.u32 $0xF, v3;
	[tilespmem:$0x1FFD0] =	vst v61;
	s12 =	smax.u32 s14, $0x1;
	s14 =	simm.s32 $0x400;
	s31 =	sadd.s32 s5, s6  }
0x14: {  	v63 =	vand.u32 $0xF, v4;
	[tilespmem:$0x1FFE0] =	vst v62;
	s4 =	sadd.s32 $0x2600, s11;
	s5 =	sadd.s32 $0x2E00, s11;
	s6 =	sadd.s32 $0x3600, s11  }
0x15: {  	vm0 =	vcmask $0x300;
	v5 =	vimm.f32 $+Inf;
	[tilespmem:$0x1FFF0] =	vst v63;
	s11 =	sadd.s32 $0x5E00, s13;
	s13 =	simm.s32 $0x80;
	s10 =	sadd.s32 $0x3E00, s31  }
.LBB2_1:
0x16: {  	[tilespmem:s2], [sflag:$0x1] =	stream.strided.gather [hbm4b:s4+s13], $0x200, s14, s13, $0x38;
	[tilespmem:$0x2680] =	vst v63  }
0x17: {  	_ =	swait.ge [sflag:s3], $0x200  }
0x18: {  	[sflag:s3] =	ssyncset.done $0x0  }
0x19: {  	[sflag:s3] =	ssyncadd.s32 $0xFFFFFE00  }
0x1a: {  	[tilespmem:s15], [sflag:$0x1] =	stream.strided.gather [hbm4b:s5+s13], $0x200, s14, s13, $0x38;
	[tilespmem:$0x2680] =	vst v63  }
0x1b: {  	_ =	swait.ge [sflag:s3], $0x200  }
0x1c: {  	[sflag:s3] =	ssyncset.done $0x0  }
0x1d: {  	[sflag:s3] =	ssyncadd.s32 $0xFFFFFE00  }
0x1e: {  	[tilespmem:s14], [sflag:$0x1] =	stream.strided.gather [hbm4b:s6+s13], $0x200, s14, s13, $0x38;
	[tilespmem:$0x2680] =	vst v63  }
0x1f: {  	_ =	swait.ge [sflag:s3], $0x200  }
0x20: {  	[sflag:s3] =	ssyncset.done $0x0  }
0x21: {  	[sflag:s3] =	ssyncadd.s32 $0xFFFFFE00  }
0x22: {  	[tilespmem:s16], [sflag:$0x1] =	stream.strided.gather [hbm4b:s7+s13], $0x800, s14, s13, $0x38;
	[tilespmem:$0x2680] =	vst v63  }
0x23: {  	_ =	swait.ge [sflag:s3], $0x800  }
0x24: {  	[sflag:s3] =	ssyncset.done $0x0  }
0x25: {  	[sflag:s3] =	ssyncadd.s32 $0xFFFFF800  }
0x26: {  	[tilespmem:s17], [sflag:$0x1] =	stream.strided.gather [hbm4b:s8+s13], $0x800, s14, s13, $0x38;
	[tilespmem:$0x2680] =	vst v63  }
0x27: {  	_ =	swait.ge [sflag:s3], $0x800  }
0x28: {  	[sflag:s3] =	ssyncset.done $0x0  }
0x29: {  	[sflag:s3] =	ssyncadd.s32 $0xFFFFF800  }
0x2a: {  	[tilespmem:s18], [sflag:$0x1] =	stream.strided.gather [hbm4b:s9+s13], $0x800, s14, s13, $0x38;
	[tilespmem:$0x2680] =	vst v63  }
0x2b: {  	_ =	swait.ge [sflag:s3], $0x800  }
0x2c: {  	[sflag:s3] =	ssyncset.done $0x0  }
0x2d: {  	s22 =	simm.s32 $0x0;
	[sflag:s3] =	ssyncadd.s32 $0xFFFFF800  }
.LBB2_2:
0x2e: {  	p0 =	sne.s32 s22, $0x1FC0  }
.Ltmp0:
0x2f: {  	_ = 	snop;
	(pc) =	sbr.rel @p0 .LBB2_2-.Ltmp0, $3  }
0x30: {  	_ =	sdelay $0x1  }
0x31: {  	s23 =	sshra.s32 s22, $0x2  }
0x32: {  	s22 =	sadd.s32 $0x40, s22;
	[tilespmem:s23+$0x1E00] =	vst v5  }
0x33: {  	s22 =	simm.s32 $0x0;
	s24 =	simm.f32 $0.0e+00  }
.LBB2_4:
0x34: {  	s23 =	sshll.u32 s22, $0x4  }
0x35: {  	v3 =	vld [tilespmem:s23+$0x0]  }
0x36: {  	v0 =	vld [tilespmem:s23+$0x400];
	_ =	sdelay $0x2  }
0x37: {  	v5 =	vld [tilespmem:s23+$0x200]  }
0x38: {  	v1 =	vbroadcast v3, $0x0  }
0x39: {  	v6 =	vbroadcast v0, $0xF  }
0x3a: {  	v7 =	vbroadcast v0, $0xD;
	[tilespmem:$0x1FCA0] =	vst v1  }
0x3b: {  	v8 =	vbroadcast v3, $0xF;
	[tilespmem:$0x1FD30] =	vst v6  }
0x3c: {  	v10 =	vbroadcast v5, $0xF;
	[tilespmem:$0x1FD40] =	vst v7  }
0x3d: {  	v12 =	vbroadcast v0, $0xC;
	[tilespmem:$0x1FD60] =	vst v8  }
0x3e: {  	v13 =	vbroadcast v3, $0xE;
	[tilespmem:$0x1FD70] =	vst v10  }
0x3f: {  	v11 =	vbroadcast v0, $0xB;
	[tilespmem:$0x1FD80] =	vst v12  }
0x40: {  	v2 =	vbroadcast v0, $0x1;
	v19 =	vbroadcast v3, $0xD;
	[tilespmem:$0x1FD90] =	vst v13  }
0x41: {  	v4 =	vbroadcast v0, $0x2;
	v20 =	vbroadcast v5, $0xD;
	[tilespmem:$0x1FDA0] =	vst v11  }
0x42: {  	v9 =	vbroadcast v3, $0x4;
	v21 =	vbroadcast v0, $0xA;
	[tilespmem:$0x1FDD0] =	vst v19  }
0x43: {  	v14 =	vbroadcast v5, $0x4;
	v24 =	vbroadcast v3, $0xC;
	[tilespmem:$0x1FDF0] =	vst v20  }
0x44: {  	v15 =	vbroadcast v0, $0x4;
	v30 =	vbroadcast v5, $0xC;
	[tilespmem:$0x1FE00] =	vst v21  }
0x45: {  	v16 =	vbroadcast v3, $0x5;
	v35 =	vbroadcast v0, $0x9;
	[tilespmem:$0x1FE10] =	vst v24  }
0x46: {  	v18 =	vbroadcast v5, $0x5;
	v36 =	vbroadcast v3, $0xB;
	[tilespmem:$0x1FE20] =	vst v30  }
0x47: {  	v23 =	vbroadcast v0, $0x5;
	v1 =	vbroadcast v5, $0x0;
	[tilespmem:$0x1FE30] =	vst v35  }
0x48: {  	s23 =	simm.s32 $0x0;
	v28 =	vbroadcast v3, $0x6;
	v48 =	vbroadcast v5, $0xB;
	[tilespmem:$0x1FE40] =	vst v36  }
0x49: {  	v32 =	vld [tilespmem:s23+$0x1600];
	v34 =	vbroadcast v5, $0x6;
	[tilespmem:$0x1FCB0] =	vst v1;
	v1 =	vbroadcast v0, $0x0  }
0x4a: {  	v29 =	vld [tilespmem:s23+$0x600];
	v40 =	vbroadcast v0, $0x6;
	v37 =	vbroadcast v0, $0x8;
	[tilespmem:$0x1FE50] =	vst v48  }
0x4b: {  	v25 =	vld [tilespmem:s23+$0xE00];
	v42 =	vbroadcast v3, $0x7;
	[tilespmem:$0x1FCC0] =	vst v1;
	v1 =	vbroadcast v3, $0x1  }
0x4c: {  	v43 =	vbroadcast v5, $0x7;
	v39 =	vbroadcast v3, $0xA;
	[tilespmem:$0x1FE60] =	vst v37  }
0x4d: {  	v58 =	vimm.f32 $+Inf;
	v38 =	vbroadcast v0, $0x7;
	[tilespmem:$0x1FCD0] =	vst v1;
	v1 =	vbroadcast v5, $0x1  }
0x4e: {  	v55 =	vimm.f32 $+Inf;
	v41 =	vbroadcast v3, $0x8;
	v44 =	vbroadcast v5, $0x8;
	[tilespmem:$0x1FE70] =	vst v39  }
0x4f: {  	v6 =	vsub.f32 v32, v6;
	v8 =	vsub.f32 v29, v8;
	[tilespmem:$0x1FCE0] =	vst v1;
	v1 =	vbroadcast v3, $0x2  }
0x50: {  	v45 =	vbroadcast v3, $0x9;
	v10 =	vsub.f32 v25, v10;
	[tilespmem:$0x1FE80] =	vst v38;
	v53 =	vsub.f32 v29, v41  }
0x51: {  	v49 =	vsub.f32 v32, v23;
	v51 =	vsub.f32 v25, v44;
	[tilespmem:$0x1FCF0] =	vst v1;
	v1 =	vbroadcast v5, $0x2  }
0x52: {  	v46 =	vbroadcast v5, $0x9;
	[tilespmem:$0x1FEE0] =	vst v23;
	v54 =	vsub.f32 v32, v15;
	v52 =	vsub.f32 v29, v28  }
0x53: {  	v56 =	vsub.f32 v25, v34;
	v60 =	vsub.f32 v29, v16;
	[tilespmem:$0x1FD00] =	vst v1;
	v1 =	vbroadcast v3, $0x3  }
0x54: {  	v47 =	vbroadcast v5, $0xA;
	[tilespmem:$0x1FF70] =	vst v18;
	v50 =	vsub.f32 v25, v18;
	v61 =	vsub.f32 v32, v4  }
0x55: {  	v62 =	vsub.f32 v29, v9;
	v18 =	vimm.f32 $+Inf;
	[tilespmem:$0x1FD10] =	vst v1;
	v1 =	vbroadcast v5, $0x3  }
0x56: {  	[tilespmem:$0x1FF30] =	vst v28;
	v59 =	vsub.f32 v25, v14;
	v63 =	vsub.f32 v32, v2;
	v22 =	vmul.f32 v10, v10  }
0x57: {  	v10 =	vsub.f32 v25, v46;
	[tilespmem:$0x1FD20] =	vst v1;
	v1 =	vbroadcast v0, $0x3;
	v0 =	vbroadcast v0, $0xE  }
0x58: {  	[tilespmem:$0x1FF40] =	vst v34;
	v34 =	vimm.f32 $+Inf;
	v28 =	vimm.f32 $+Inf;
	v23 =	vimm.f32 $+Inf  }
0x59: {  	[tilespmem:$0x1FEF0] =	vst v44;
	v44 =	vmul.f32 v10, v10;
	v3 =	vsub.f32 v32, v7;
	v7 =	vsub.f32 v32, v0  }
0x5a: {  	[tilespmem:$0x1FD50] =	vst v0;
	v0 =	vbroadcast v5, $0xE;
	v5 =	vsub.f32 v32, v12;
	v12 =	vsub.f32 v29, v13  }
0x5b: {  	[tilespmem:$0x1FE90] =	vst v47;
	v13 =	vsub.f32 v32, v11;
	v11 =	vmul.f32 v8, v8;
	v8 =	vsub.f32 v25, v47  }
0x5c: {  	[tilespmem:$0x1FEA0] =	vst v45;
	v10 =	vimm.f32 $+Inf;
	v47 =	vsub.f32 v29, v42;
	v57 =	vsub.f32 v32, v1  }
0x5d: {  	[tilespmem:$0x1FDB0] =	vst v0;
	v17 =	vsub.f32 v25, v0;
	v0 =	vmul.f32 v7, v7;
	v7 =	vsub.f32 v29, v19  }
0x5e: {  	[tilespmem:$0x1FEB0] =	vst v46;
	v19 =	vmul.f32 v3, v3;
	v3 =	vsub.f32 v25, v20;
	v20 =	vmul.f32 v5, v5  }
0x5f: {  	[tilespmem:$0x1FEC0] =	vst v40;
	v5 =	vsub.f32 v32, v21;
	v21 =	vmul.f32 v12, v12;
	v26 =	vmul.f32 v13, v13  }
0x60: {  	[tilespmem:$0x1FED0] =	vst v41;
	v41 =	vmul.f32 v8, v8;
	v13 =	vimm.f32 $+Inf;
	v12 =	vimm.f32 $+Inf  }
0x61: {  	v8 =	vimm.f32 $+Inf;
	[tilespmem:$0x1FDC0] =	vst v0;
	v0 =	vmul.f32 v6, v6;
	v6 =	vsub.f32 v29, v24  }
0x62: {  	[tilespmem:$0x1FF00] =	vst v42;
	v24 =	vmul.f32 v17, v17;
	v31 =	vmul.f32 v5, v5;
	v5 =	vsub.f32 v25, v30  }
0x63: {  	[tilespmem:$0x1FF10] =	vst v43;
	v27 =	vmul.f32 v7, v7;
	v30 =	vmul.f32 v3, v3;
	v3 =	vsub.f32 v32, v35  }
0x64: {  	[tilespmem:$0x1FF20] =	vst v15;
	v7 =	vsub.f32 v29, v39;
	v17 =	vimm.f32 $+Inf;
	v35 =	vmul.f32 v5, v5  }
0x65: {  	[tilespmem:$0x1FF60] =	vst v16;
	v5 =	vsub.f32 v29, v36;
	v36 =	vmul.f32 v3, v3;
	v3 =	vsub.f32 v32, v37  }
0x66: {  	[tilespmem:$0x1FF80] =	vst v4;
	v33 =	vmul.f32 v6, v6;
	v6 =	vsub.f32 v25, v48;
	v48 =	vsub.f32 v25, v43  }
0x67: {  	[tilespmem:$0x1FF90] =	vst v9;
	v37 =	vmul.f32 v5, v5;
	v5 =	vsub.f32 v32, v38;
	v39 =	vmul.f32 v3, v3  }
0x68: {  	[tilespmem:$0x1FFA0] =	vst v14;
	v3 =	vsub.f32 v29, v45;
	v38 =	vmul.f32 v6, v6;
	v6 =	vsub.f32 v32, v40  }
0x69: {  	[tilespmem:$0x1FFB0] =	vst v2;
	v40 =	vmul.f32 v7, v7;
	v45 =	vimm.f32 $+Inf;
	v42 =	vmul.f32 v5, v5  }
0x6a: {  	[tilespmem:$0x1FF50] =	vst v1;
	v7 =	vimm.f32 $+Inf;
	v43 =	vmul.f32 v3, v3;
	v46 =	vmul.f32 v6, v6  }
0x6b: {  	s25 =	simm.s32 $0x40;
	[tilespmem:$0x1FDE0] =	vst v0;
	v3 =	vimm.f32 $+Inf;
	v6 =	vimm.f32 $+Inf;
	v5 =	vimm.f32 $+Inf  }
.LBB2_5:
0x6c: {  	v1 =	vld [tilespmem:$0x1FCC0];
	_ =	sdelay $0x1  }
0x6d: {  	v0 =	vld [tilespmem:$0x1FD10]  }
0x6e: {  	v2 =	vld [tilespmem:$0x1FCD0]  }
0x6f: {  	v4 =	vld [tilespmem:$0x1FCA0]  }
0x70: {  	v32 =	vsub.f32 v32, v1;
	v1 =	vld [tilespmem:$0x1FCF0];
	_ =	sdelay $0x1  }
0x71: {  	v9 =	vld [tilespmem:$0x1FCE0];
	_ =	sdelay $0x1  }
0x72: {  	v53 =	vmul.f32 v53, v53;
	v0 =	vsub.f32 v29, v0;
	v2 =	vsub.f32 v29, v2  }
0x73: {  	v51 =	vmul.f32 v51, v51;
	v1 =	vsub.f32 v29, v1;
	v29 =	vsub.f32 v29, v4;
	v4 =	vld [tilespmem:$0x1FCB0]  }
0x74: {  	v49 =	vmul.f32 v49, v49;
	v54 =	vmul.f32 v54, v54  }
0x75: {  	v52 =	vmul.f32 v52, v52;
	v56 =	vmul.f32 v56, v56;
	v15 =	vsub.f32 v25, v9;
	v9 =	vld [tilespmem:$0x1FD00]  }
0x76: {  	v57 =	vmul.f32 v57, v57;
	v60 =	vmul.f32 v60, v60;
	v14 =	vld [tilespmem:$0x1FD20]  }
0x77: {  	v61 =	vmul.f32 v61, v61;
	v62 =	vmul.f32 v62, v62  }
0x78: {  	v47 =	vmul.f32 v47, v47;
	v48 =	vmul.f32 v48, v48;
	v4 =	vsub.f32 v25, v4  }
0x79: {  	v63 =	vmul.f32 v63, v63;
	v32 =	vmul.f32 v32, v32  }
0x7a: {  	v16 =	vsub.f32 v25, v9;
	v29 =	vmul.f32 v29, v29;
	v4 =	vmul.f32 v4, v4  }
0x7b: {  	v2 =	vmul.f32 v2, v2;
	v15 =	vmul.f32 v15, v15;
	v9 =	vld [tilespmem:s23+$0x1E00];
	v25 =	vsub.f32 v25, v14  }
0x7c: {  	v1 =	vmul.f32 v1, v1;
	v16 =	vmul.f32 v16, v16;
	v4 =	vadd.f32 v4, v29  }
0x7d: {  	v0 =	vmul.f32 v0, v0;
	v2 =	vadd.f32 v15, v2;
	v15 =	vmul.f32 v25, v25  }
0x7e: {  	v1 =	vadd.f32 v16, v1;
	v16 =	vmul.f32 v59, v59;
	v4 =	vadd.f32 v32, v4  }
0x7f: {  	v2 =	vadd.f32 v63, v2;
	v0 =	vadd.f32 v15, v0;
	v15 =	vmul.f32 v50, v50  }
0x80: {  	v1 =	vadd.f32 v61, v1;
	v16 =	vadd.f32 v16, v62;
	v9 =	vmin.f32 v9, v4  }
0x81: {  	v0 =	vadd.f32 v57, v0;
	v15 =	vadd.f32 v15, v60;
	v9 =	vmin.f32 v9, v2  }
0x82: {  	v25 =	vadd.f32 v56, v52;
	v16 =	vadd.f32 v54, v16;
	v9 =	vmin.f32 v9, v1  }
0x83: {  	v29 =	vadd.f32 v48, v47;
	v15 =	vadd.f32 v49, v15;
	v9 =	vmin.f32 v9, v0  }
0x84: {  	v46 =	vadd.f32 v46, v25;
	v25 =	vadd.f32 v51, v53;
	v9 =	vmin.f32 v9, v16  }
0x85: {  	v42 =	vadd.f32 v42, v29;
	v29 =	vadd.f32 v44, v43;
	v9 =	vmin.f32 v9, v15  }
0x86: {  	v39 =	vadd.f32 v39, v25;
	v25 =	vadd.f32 v41, v40;
	v9 =	vmin.f32 v9, v46  }
0x87: {  	v36 =	vadd.f32 v36, v29;
	v29 =	vadd.f32 v38, v37;
	v9 =	vmin.f32 v9, v42  }
0x88: {  	v31 =	vadd.f32 v31, v25;
	v25 =	vadd.f32 v35, v33;
	v9 =	vmin.f32 v9, v39  }
0x89: {  	v27 =	vadd.f32 v30, v27;
	v26 =	vadd.f32 v26, v29;
	v9 =	vmin.f32 v9, v36  }
0x8a: {  	v20 =	vadd.f32 v20, v25;
	v9 =	vmin.f32 v9, v31  }
0x8b: {  	v19 =	vadd.f32 v19, v27;
	v9 =	vmin.f32 v9, v26  }
0x8c: {  	v18 =	vmin.f32 v18, v4;
	v4 =	vmin.f32 v9, v20  }
0x8d: {  	v17 =	vmin.f32 v17, v2;
	v2 =	vmin.f32 v4, v19;
	v4 =	vld [tilespmem:$0x1FDE0];
	_ =	sdelay $0x2  }
0x8e: {  	s26 =	sshra.s32 s25, $0x2;
	v14 =	vadd.f32 v22, v11  }
0x8f: {  	v25 =	vld [tilespmem:s26+$0xE00]  }
0x90: {  	v4 =	vadd.f32 v4, v14;
	v14 =	vld [tilespmem:$0x1FD70];
	_ =	sdelay $0x3  }
0x91: {  	v32 =	vld [tilespmem:s26+$0x1600]  }
0x92: {  	v45 =	vmin.f32 v45, v15;
	v15 =	vsub.f32 v25, v14;
	v14 =	vld [tilespmem:$0x1FD80];
	_ =	sdelay $0x2  }
0x93: {  	v29 =	vld [tilespmem:s26+$0x600]  }
0x94: {  	v9 =	vld [tilespmem:$0x1FDC0]  }
0x95: {  	v55 =	vmin.f32 v55, v16;
	v16 =	vsub.f32 v32, v14;
	v14 =	vld [tilespmem:$0x1FD90];
	_ =	sdelay $0x2  }
0x96: {  	v21 =	vadd.f32 v24, v21;
	_ =	sdelay $0x1  }
0x97: {  	v9 =	vadd.f32 v9, v21;
	v21 =	vsub.f32 v29, v14;
	v14 =	vld [tilespmem:$0x1FDA0];
	_ =	sdelay $0x4  }
0x98: {  	v27 =	vsub.f32 v32, v14;
	v14 =	vld [tilespmem:$0x1FDB0];
	_ =	sdelay $0x4  }
0x99: {  	v24 =	vsub.f32 v25, v14;
	v14 =	vld [tilespmem:$0x1FDD0];
	_ =	sdelay $0x4  }
0x9a: {  	v30 =	vsub.f32 v29, v14;
	v14 =	vld [tilespmem:$0x1FDF0];
	_ =	sdelay $0x1  }
0x9b: {  	v58 =	vmin.f32 v58, v0;
	v0 =	vmin.f32 v2, v9  }
0x9c: {  	v11 =	vld [tilespmem:$0x1FD50];
	v0 =	vmin.f32 v0, v4  }
0x9d: {  	[tilespmem:s23+$0x1E00] =	vst v0;
	v0 =	vld [tilespmem:$0x1FD60]  }
0x9e: {  	v62 =	vsub.f32 v25, v14;
	v14 =	vld [tilespmem:$0x1FE00];
	_ =	sdelay $0x2  }
0x9f: {  	v11 =	vsub.f32 v32, v11;
	_ =	sdelay $0x1  }
0xa0: {  	v11 =	vmul.f32 v11, v11;
	v0 =	vsub.f32 v29, v0;
	v63 =	vsub.f32 v32, v14;
	v14 =	vld [tilespmem:$0x1FE10];
	_ =	sdelay $0x1  }
0xa1: {  	[tilespmem:$0x1FDC0] =	vst v11;
	v11 =	vmul.f32 v0, v0;
	v0 =	vld [tilespmem:$0x1FF20];
	_ =	sdelay $0x2  }
0xa2: {  	v13 =	vmin.f32 v13, v36;
	v36 =	vsub.f32 v29, v14;
	v14 =	vld [tilespmem:$0x1FE30];
	_ =	sdelay $0x1  }
0xa3: {  	v54 =	vsub.f32 v32, v0;
	v0 =	vld [tilespmem:$0x1FF30];
	_ =	sdelay $0x2  }
0xa4: {  	v37 =	vsub.f32 v32, v14;
	v14 =	vld [tilespmem:$0x1FE20];
	_ =	sdelay $0x1  }
0xa5: {  	v52 =	vsub.f32 v29, v0;
	v0 =	vld [tilespmem:$0x1FF40];
	_ =	sdelay $0x2  }
0xa6: {  	v38 =	vsub.f32 v25, v14;
	v14 =	vld [tilespmem:$0x1FE40];
	_ =	sdelay $0x1  }
0xa7: {  	v56 =	vsub.f32 v25, v0;
	v0 =	vld [tilespmem:$0x1FF50];
	_ =	sdelay $0x2  }
0xa8: {  	v23 =	vmin.f32 v23, v39;
	v39 =	vsub.f32 v29, v14;
	v14 =	vld [tilespmem:$0x1FE50];
	_ =	sdelay $0x1  }
0xa9: {  	v57 =	vsub.f32 v32, v0;
	v0 =	vld [tilespmem:$0x1FF60];
	_ =	sdelay $0x1  }
0xaa: {  	v7 =	vmin.f32 v7, v19;
	v19 =	vld [tilespmem:$0x1FED0]  }
0xab: {  	v40 =	vsub.f32 v25, v14;
	v14 =	vld [tilespmem:$0x1FE60];
	_ =	sdelay $0x1  }
0xac: {  	v60 =	vsub.f32 v29, v0;
	v0 =	vld [tilespmem:$0x1FF70];
	_ =	sdelay $0x1  }
0xad: {  	v53 =	vsub.f32 v29, v19;
	v19 =	vld [tilespmem:$0x1FEE0]  }
0xae: {  	v41 =	vsub.f32 v32, v14;
	v14 =	vld [tilespmem:$0x1FE70];
	_ =	sdelay $0x1  }
0xaf: {  	v50 =	vsub.f32 v25, v0;
	v0 =	vld [tilespmem:$0x1FF80]  }
0xb0: {  	v3 =	vmin.f32 v3, v1;
	v1 =	vld [tilespmem:$0x1FD30]  }
0xb1: {  	v49 =	vsub.f32 v32, v19;
	v19 =	vld [tilespmem:$0x1FEF0]  }
0xb2: {  	v28 =	vmin.f32 v28, v42;
	v42 =	vsub.f32 v29, v14;
	v14 =	vld [tilespmem:$0x1FE80]  }
0xb3: {  	v5 =	vmin.f32 v5, v4;
	v4 =	vld [tilespmem:$0x1FEC0]  }
0xb4: {  	v61 =	vsub.f32 v32, v0;
	v0 =	vld [tilespmem:$0x1FF90]  }
0xb5: {  	v2 =	vld [tilespmem:$0x1FD40]  }
0xb6: {  	v34 =	vmin.f32 v34, v46;
	v51 =	vsub.f32 v25, v19;
	v19 =	vld [tilespmem:$0x1FF00]  }
0xb7: {  	v10 =	vmin.f32 v10, v26;
	v8 =	vmin.f32 v8, v20;
	v43 =	vsub.f32 v32, v14;
	v14 =	vld [tilespmem:$0x1FE90]  }
0xb8: {  	v1 =	vsub.f32 v32, v1;
	v4 =	vsub.f32 v32, v4;
	v26 =	vmul.f32 v27, v27  }
0xb9: {  	v27 =	vmul.f32 v30, v30;
	v30 =	vmul.f32 v62, v62;
	v62 =	vsub.f32 v29, v0;
	v0 =	vld [tilespmem:$0x1FFA0]  }
0xba: {  	v1 =	vmul.f32 v1, v1;
	v2 =	vsub.f32 v32, v2;
	v22 =	vmul.f32 v15, v15  }
0xbb: {  	v6 =	vmin.f32 v6, v9;
	v9 =	vld [tilespmem:$0x1FEA0];
	v46 =	vmul.f32 v4, v4;
	v20 =	vmul.f32 v16, v16  }
0xbc: {  	v47 =	vsub.f32 v29, v19;
	v19 =	vmul.f32 v2, v2;
	v44 =	vsub.f32 v25, v14;
	v14 =	vld [tilespmem:$0x1FEB0]  }
0xbd: {  	v12 =	vmin.f32 v12, v31;
	[tilespmem:$0x1FDE0] =	vst v1;
	v1 =	vld [tilespmem:$0x1FF10];
	v21 =	vmul.f32 v21, v21;
	v24 =	vmul.f32 v24, v24  }
0xbe: {  	p0 =	sne.s32 s25, $0x1FC0;
	v31 =	vmul.f32 v63, v63;
	v33 =	vmul.f32 v36, v36;
	v59 =	vsub.f32 v25, v0;
	v0 =	vld [tilespmem:$0x1FFB0]  }
.Ltmp1:
0xbf: {  	v36 =	vmul.f32 v37, v37;
	v35 =	vmul.f32 v38, v38;
	(pc) =	sbr.rel @p0 .LBB2_5-.Ltmp1, $4  }
0xc0: {  	v9 =	vsub.f32 v29, v9;
	v37 =	vmul.f32 v39, v39;
	v38 =	vmul.f32 v40, v40  }
0xc1: {  	v39 =	vmul.f32 v41, v41;
	v40 =	vmul.f32 v42, v42;
	v14 =	vsub.f32 v25, v14  }
0xc2: {  	v48 =	vsub.f32 v25, v1;
	v42 =	vmul.f32 v43, v43;
	v43 =	vmul.f32 v9, v9  }
0xc3: {  	s25 =	sadd.s32 $0x40, s25;
	s23 =	smov.u32 s26;
	v63 =	vsub.f32 v32, v0;
	v41 =	vmul.f32 v44, v44;
	v44 =	vmul.f32 v14, v14  }
0xc4: {  	v0 =	vld [tilespmem:$0x1FCC0]  }
0xc5: {  	v1 =	vld [tilespmem:$0x1FCA0]  }
0xc6: {  	v2 =	vld [tilespmem:$0x1FCB0]  }
0xc7: {  	v4 =	vld [tilespmem:$0x1FD10]  }
0xc8: {  	v9 =	vld [tilespmem:$0x1FCD0]  }
0xc9: {  	v14 =	vld [tilespmem:$0x1FCE0]  }
0xca: {  	v15 =	vld [tilespmem:$0x1FCF0]  }
0xcb: {  	v16 =	vld [tilespmem:$0x1FD00];
	v37 =	vadd.f32 v38, v37  }
0xcc: {  	v27 =	vadd.f32 v30, v27;
	v0 =	vsub.f32 v32, v0  }
0xcd: {  	v1 =	vsub.f32 v29, v1;
	v2 =	vsub.f32 v25, v2  }
0xce: {  	v4 =	vsub.f32 v29, v4;
	v9 =	vsub.f32 v29, v9  }
0xcf: {  	v14 =	vsub.f32 v25, v14;
	v15 =	vsub.f32 v29, v15;
	v29 =	vld [tilespmem:$0x1FD20]  }
0xd0: {  	v16 =	vsub.f32 v25, v16;
	v1 =	vmul.f32 v1, v1;
	v2 =	vmul.f32 v2, v2  }
0xd1: {  	v21 =	vadd.f32 v24, v21;
	v0 =	vmul.f32 v0, v0;
	v32 =	vmul.f32 v14, v14  }
0xd2: {  	v11 =	vadd.f32 v22, v11;
	v15 =	vmul.f32 v15, v15;
	v16 =	vmul.f32 v16, v16  }
0xd3: {  	v4 =	vmul.f32 v4, v4;
	v1 =	vadd.f32 v2, v1;
	v2 =	vmul.f32 v9, v9  }
0xd4: {  	v9 =	vmul.f32 v51, v51;
	v14 =	vsub.f32 v25, v29;
	v25 =	vmul.f32 v53, v53  }
0xd5: {  	v26 =	vadd.f32 v26, v37;
	v29 =	vmul.f32 v61, v61;
	v53 =	vmul.f32 v59, v59  }
0xd6: {  	v19 =	vadd.f32 v19, v27;
	v59 =	vmul.f32 v57, v57;
	v61 =	vmul.f32 v60, v60  }
0xd7: {  	v10 =	vmin.f32 v10, v26;
	v57 =	vmul.f32 v56, v56;
	v60 =	vmul.f32 v48, v48  }
0xd8: {  	v48 =	vadd.f32 v35, v33;
	v2 =	vadd.f32 v32, v2;
	v32 =	vmul.f32 v63, v63  }
0xd9: {  	v0 =	vadd.f32 v0, v1;
	v63 =	vadd.f32 v16, v15;
	v14 =	vmul.f32 v14, v14  }
0xda: {  	v9 =	vadd.f32 v9, v25;
	v1 =	vadd.f32 v32, v2;
	v32 =	vmul.f32 v62, v62  }
0xdb: {  	v2 =	vadd.f32 v29, v63;
	v62 =	vmul.f32 v50, v50;
	v63 =	vmul.f32 v49, v49  }
0xdc: {  	v4 =	vadd.f32 v14, v4;
	v14 =	vadd.f32 v53, v32;
	v53 =	vmul.f32 v54, v54  }
0xdd: {  	v29 =	vadd.f32 v62, v61;
	v54 =	vmul.f32 v52, v52;
	v62 =	vadd.f32 v44, v43  }
0xde: {  	v44 =	vadd.f32 v41, v40;
	v51 =	vmin.f32 v3, v2;
	v3 =	vadd.f32 v20, v48  }
0xdf: {  	v4 =	vadd.f32 v59, v4;
	v59 =	vmul.f32 v47, v47;
	v15 =	vadd.f32 v53, v14  }
0xe0: {  	v16 =	vadd.f32 v63, v29;
	v63 =	vmin.f32 v18, v0;
	v18 =	vadd.f32 v39, v9;
	v39 =	vld [tilespmem:$0x1FFC0]  }
0xe1: {  	v7 =	vmin.f32 v7, v19;
	v61 =	vadd.f32 v57, v54;
	v32 =	vadd.f32 v36, v62  }
0xe2: {  	v8 =	vmin.f32 v8, v3;
	v14 =	vadd.f32 v60, v59;
	v58 =	vmin.f32 v58, v4  }
0xe3: {  	v25 =	vadd.f32 v46, v61;
	v46 =	vmin.f32 v17, v1;
	v17 =	vadd.f32 v31, v44  }
0xe4: {  	v35 =	vld [tilespmem:$0x1FFD0];
	v61 =	vmin.f32 v55, v15;
	v55 =	vmin.f32 v23, v18;
	v13 =	vmin.f32 v13, v32  }
0xe5: {  	v29 =	vadd.f32 v42, v14;
	v42 =	vperm.xlane v63, v39;
	v47 =	vperm.xlane v46, v39  }
0xe6: {  	v12 =	vmin.f32 v12, v17;
	v54 =	vperm.xlane v51, v39;
	v62 =	vperm.xlane v58, v39  }
0xe7: {  	v38 =	vperm.xlane v61, v39;
	v28 =	vmin.f32 v28, v29;
	v33 =	vperm.xlane v12, v39  }
0xe8: {  	v36 =	vld [tilespmem:$0x1FFE0];
	v9 =	vmin.f32 v63, v42;
	v50 =	vmin.f32 v46, v47;
	v20 =	vmin.f32 v51, v54  }
0xe9: {  	v24 =	vmin.f32 v58, v62;
	v42 =	vmin.f32 v45, v16;
	v49 =	vperm.xlane v9, v35  }
0xea: {  	v27 =	vmin.f32 v61, v38;
	v52 =	vperm.xlane v50, v35;
	v60 =	vperm.xlane v20, v35  }
0xeb: {  	v37 =	vld [tilespmem:$0x1FFF0];
	v46 =	vmin.f32 v34, v25;
	v41 =	vperm.xlane v24, v35;
	v43 =	vperm.xlane v27, v35  }
0xec: {  	v45 =	vperm.xlane v42, v39;
	v9 =	vmin.f32 v9, v49;
	v56 =	vmin.f32 v50, v52  }
0xed: {  	v20 =	vmin.f32 v20, v60;
	v50 =	vperm.xlane v46, v39;
	v53 =	vperm.xlane v9, v36  }
0xee: {  	v30 =	vmin.f32 v42, v45;
	v57 =	vperm.xlane v56, v36;
	v31 =	vperm.xlane v20, v36  }
0xef: {  	v52 =	vperm.xlane v28, v39;
	v49 =	vperm.xlane v30, v35;
	v9 =	vmin.f32 v9, v53  }
0xf0: {  	v14 =	vmin.f32 v56, v57;
	v20 =	vmin.f32 v20, v31;
	v59 =	vperm.xlane v9, v37  }
0xf1: {  	v12 =	vmin.f32 v12, v33;
	v63 =	vperm.xlane v14, v37;
	v31 =	vperm.xlane v20, v37  }
0xf2: {  	v60 =	vperm.xlane v55, v39;
	v30 =	vmin.f32 v30, v49;
	v9 =	vmin.f32 v9, v59  }
0xf3: {  	v40 =	vmin.f32 v14, v63;
	v14 =	vmin.f32 v24, v41;
	v20 =	vmin.f32 v20, v31  }
0xf4: {  	v24 =	vmin.f32 v27, v43;
	v31 =	vperm.xlane v30, v36;
	v27 =	vmin.f32 v28, v52  }
0xf5: {  	v43 =	vperm.xlane v10, v39;
	(v2sf) =	vpush v9, $0x0;
	v44 =	vperm.xlane v14, v36  }
0xf6: {  	v47 =	vperm.xlane v24, v36;
	v58 =	vperm.xlane v27, v35;
	(v2sf) =	vpush v40, $0x0  }
0xf7: {  	v56 =	vmin.f32 v30, v31;
	v30 =	vperm.xlane v13, v39;
	v40 =	vperm.xlane v12, v35  }
0xf8: {  	v41 =	vld [tilespmem:$0x1FDC0];
	v9 =	vmin.f32 v14, v44;
	(v2sf) =	vpush v20, $0x0;
	v14 =	vmin.f32 v24, v47  }
0xf9: {  	v24 =	vmin.f32 v46, v50;
	v57 =	vperm.xlane v56, v37;
	v46 =	vperm.xlane v8, v39  }
0xfa: {  	v20 =	vmin.f32 v55, v60;
	v48 =	vperm.xlane v9, v37;
	v51 =	vperm.xlane v14, v37  }
0xfb: {  	v10 =	vmin.f32 v10, v43;
	v54 =	vperm.xlane v24, v35;
	v63 =	vperm.xlane v20, v35  }
0xfc: {  	v13 =	vmin.f32 v13, v30;
	v12 =	vmin.f32 v12, v40;
	v23 =	vmin.f32 v56, v57  }
0xfd: {  	v44 =	vld [tilespmem:$0x1FDE0];
	v34 =	vperm.xlane v13, v35;
	v21 =	vadd.f32 v41, v21;
	v8 =	vmin.f32 v8, v46  }
0xfe: {  	v9 =	vmin.f32 v9, v48;
	v53 =	vmin.f32 v14, v51;
	v14 =	vmin.f32 v24, v54  }
0xff: {  	v24 =	vmin.f32 v27, v58;
	v20 =	vmin.f32 v20, v63;
	v48 =	vperm.xlane v7, v39  }
0x100: {  	v49 =	vperm.xlane v8, v35;
	(v2sf) =	vpush v9, $0x0;
	v59 =	vperm.xlane v14, v36  }
0x101: {  	v61 =	vperm.xlane v24, v36;
	v27 =	vperm.xlane v20, v36;
	v6 =	vmin.f32 v6, v21  }
0x102: {  	(v2sf) =	vpush v53, $0x0;
	v11 =	vadd.f32 v44, v11;
	v7 =	vmin.f32 v7, v48  }
0x103: {  	v50 =	vperm.xlane v6, v39;
	v8 =	vmin.f32 v8, v49;
	v9 =	vmin.f32 v14, v59  }
0x104: {  	(v2sf) =	vpush v23, $0x0;
	v14 =	vmin.f32 v24, v61;
	v62 =	vperm.xlane v9, v37  }
0x105: {  	v20 =	vmin.f32 v20, v27;
	v51 =	vperm.xlane v7, v35;
	v52 =	vperm.xlane v8, v36  }
0x106: {  	v31 =	vperm.xlane v14, v37;
	v38 =	vperm.xlane v20, v37;
	v9 =	vmin.f32 v9, v62  }
0x107: {  	v5 =	vmin.f32 v5, v11;
	(v2sf) =	vpush v9, $0x0;
	v9 =	vmin.f32 v13, v34  }
0x108: {  	v6 =	vmin.f32 v6, v50;
	v14 =	vmin.f32 v14, v31;
	v42 =	vperm.xlane v9, v36  }
0x109: {  	v53 =	vperm.xlane v5, v39;
	(v2sf) =	vpush v14, $0x0;
	v14 =	vperm.xlane v10, v35  }
0x10a: {  	v7 =	vmin.f32 v7, v51;
	v13 =	vperm.xlane v12, v36;
	v9 =	vmin.f32 v9, v42  }
0x10b: {  	v20 =	vmin.f32 v20, v38;
	v10 =	vmin.f32 v10, v14;
	s25 =	spop (v2sf);
	v45 =	vperm.xlane v9, v37  }
0x10c: {  	(v2sf) =	vpush v20, $0x0;
	v12 =	vmin.f32 v12, v13;
	v47 =	vperm.xlane v10, v36;
	s24 =	sadd.f32 s25, s24  }
0x10d: {  	v54 =	vperm.xlane v6, v35;
	v13 =	vperm.xlane v12, v37;
	s26 =	spop (v2sf);
	v9 =	vmin.f32 v9, v45  }
0x10e: {  	v8 =	vmin.f32 v8, v52;
	v10 =	vmin.f32 v10, v47;
	s24 =	sadd.f32 s26, s24;
	(v2sf) =	vpush v9, $0x0  }
0x10f: {  	v55 =	vperm.xlane v7, v36;
	v12 =	vmin.f32 v12, v13;
	s28 =	spop (v2sf);
	v13 =	vperm.xlane v10, v37  }
0x110: {  	v56 =	vperm.xlane v8, v37;
	v5 =	vmin.f32 v5, v53;
	(v2sf) =	vpush v12, $0x0;
	s24 =	sadd.f32 s28, s24  }
0x111: {  	v6 =	vmin.f32 v6, v54;
	v57 =	vperm.xlane v5, v35;
	v10 =	vmin.f32 v10, v13;
	s29 =	spop (v2sf)  }
0x112: {  	v7 =	vmin.f32 v7, v55;
	v58 =	vperm.xlane v6, v36;
	(v2sf) =	vpush v10, $0x0;
	s24 =	sadd.f32 s29, s24  }
0x113: {  	v8 =	vmin.f32 v8, v56;
	v59 =	vperm.xlane v7, v37;
	v5 =	vmin.f32 v5, v57;
	s30 =	spop (v2sf)  }
0x114: {  	v6 =	vmin.f32 v6, v58;
	v60 =	vperm.xlane v5, v36;
	(v2sf) =	vpush v8, $0x0;
	s24 =	sadd.f32 s30, s24  }
0x115: {  	v61 =	vld [tilespmem:s23+$0x1E00];
	v7 =	vmin.f32 v7, v59;
	v62 =	vperm.xlane v6, v37;
	s31 =	spop (v2sf)  }
0x116: {  	v5 =	vmin.f32 v5, v60;
	(v2sf) =	vpush v7, $0x0;
	s24 =	sadd.f32 s31, s24  }
0x117: {  	v6 =	vmin.f32 v6, v62;
	v63 =	vperm.xlane v5, v37;
	s26 =	spop (v2sf)  }
0x118: {  	(v2sf) =	vpush v6, $0x0;
	s24 =	sadd.f32 s26, s24  }
0x119: {  	v5 =	vmin.f32 v5, v63;
	s28 =	spop (v2sf)  }
0x11a: {  	v0 =	vmin.f32 v61, v0;
	(v2sf) =	vpush v5, $0x0;
	s24 =	sadd.f32 s28, s24  }
0x11b: {  	v0 =	vmin.f32 v0, v1;
	s29 =	spop (v2sf)  }
0x11c: {  	v0 =	vmin.f32 v0, v2;
	s24 =	sadd.f32 s29, s24  }
0x11d: {  	v0 =	vmin.f32 v0, v4;
	s30 =	spop (v2sf)  }
0x11e: {  	v0 =	vmin.f32 v0, v15;
	s24 =	sadd.f32 s30, s24  }
0x11f: {  	v0 =	vmin.f32 v0, v16;
	s31 =	spop (v2sf)  }
0x120: {  	v0 =	vmin.f32 v0, v25;
	s24 =	sadd.f32 s31, s24  }
0x121: {  	v0 =	vmin.f32 v0, v29;
	s26 =	spop (v2sf)  }
0x122: {  	v0 =	vmin.f32 v0, v18;
	s24 =	sadd.f32 s26, s24  }
0x123: {  	v0 =	vmin.f32 v0, v32;
	s28 =	spop (v2sf)  }
0x124: {  	s22 =	sadd.s32 $0x1, s22;
	v0 =	vmin.f32 v0, v17;
	s24 =	sadd.f32 s28, s24  }
0x125: {  	p0 =	sne.s32 s22, $0x20;
	v0 =	vmin.f32 v0, v26;
	s29 =	spop (v2sf)  }
.Ltmp2:
0x126: {  	v0 =	vmin.f32 v0, v3;
	s24 =	sadd.f32 s29, s24;
	(pc) =	sbr.rel @p0 .LBB2_4-.Ltmp2, $4  }
0x127: {  	v0 =	vmin.f32 v0, v19;
	s30 =	spop (v2sf)  }
0x128: {  	v0 =	vmin.f32 v0, v21;
	s24 =	sadd.f32 s30, s24  }
0x129: {  	v0 =	vmin.f32 v0, v11;
	s31 =	spop (v2sf)  }
0x12a: {  	[tilespmem:s23+$0x1E00] =	vst v0;
	s24 =	sadd.f32 s31, s24  }
0x12b: {  	[hbm4b:s10+s13] =	stream.strided.scatter [tilespmem:s19], [sflag:$0x1], $0x800, s14, s13, $0x38;
	[tilespmem:$0x2680] =	vst v63  }
0x12c: {  	_ =	swait.ge [sflag:s3], $0x800  }
0x12d: {  	s21 =	sadd.s32 $0x1, s21;
	v0 =	vmov s24;
	[sflag:s3] =	ssyncset.done $0x0  }
0x12e: {  	p0 =	sne.s32 s21, s12;
	v0 =	vnsel vm0, $0x0, v0;
	[sflag:s3] =	ssyncadd.s32 $0xFFFFF800  }
.Ltmp3:
0x12f: {  	[tilespmem:$0x2600] =	vst v0;
	(pc) =	sbr.rel @p0 .LBB2_1-.Ltmp3, $4  }
0x130: {  	[hbm4b:s11+s2] =	stream.linear.scatter [tilespmem:s20], [sflag:$0x1], $0x80, $0x38;
	[tilespmem:$0x2680] =	vst v63  }
0x131: {  	_ =	swait.ge [sflag:s3], $0x80  }
0x132: {  	[sflag:s3] =	ssyncset.done $0x0  }
0x133: {  	v5 =	vimm.f32 $+Inf;
	[sflag:s3] =	ssyncadd.s32 $0xFFFFFF80  }
0x134: {  	_ =	sfence.sel $0x180000  }
0x135: {  	[bflag:$0x0] =	sbarrier.arrive $0xFFFF  }
0x136: {  	p0 =	sne.s32 s0, $0x0;
	_ =	strace $0x90000047  }
0x137: {  	s0 =	sadd.s32 @!p0 $0x100000, s1;
	[bflag:$0x2] =	sbarrier.arrive $0xFFFF  }
0x138: {  	[sflag:s0] =	ssyncadd.tile.s32 @!p0 $0x1;
	_ =	shalt  }
.Lfunc_end2:
_tile_overlayer_lowered:
.L_overlay_start_2:
0x139: {  	(tag) =	ssettag $0x2  }
0x13a: {  	s0 =	rddreg [dreg:$0x0];
	s2 =	stileid.u32  }
0x13b: {  	s1 =	rddreg [dreg:$0x1];
	p0 =	sne.s32 s2, $0x0  }
0x13c: {  	s3 =	rddreg [dreg:$0x2];
	[bflag:$0x3] =	sbarrier.arrive $0xFFFF;
	s2 =	simm.s32 @!p0 $0x1C01  }
0x13d: {  	[timem:s3], [sflag:s2] =	dma.local @!p0 [hbm:s0], s1  }
0x13e: {  	s0 =	simm.s32 @!p0 $0x1  }
0x13f: {  	_ =	swait.ge @!p0 [sflag:s0], s1  }
0x140: {  	s1 =	ssub.s32 @!p0 $0x0, s1;
	[sflag:s0] =	ssyncset.done @!p0 $0x0  }
0x141: {  	[sflag:s0] =	ssyncadd.s32 @!p0 s1  }
0x142: {  	[bflag:$0x3] =	sbarrier.arrive $0xFFFF  }
0x143: {  	_ =	shalt  }

// kernel: kernel.7.cloned.1.call-start
scs
__scs_entry_jumppad:
0x0: {  	(pc) =	sbr.rel $0x88, $3  }
0x1: {  	(tag) =	ssettag $0x0;
	lr =	simm.s32 $0x1  }
0x2: {  	[smem:$0x3F9F] =	sst lr;
	_ =	strace $0xD0000000  }
0x3: {  	_ = 	snop  }
0x4: {  	_ = 	snop  }
0x5: {  	_ = 	snop  }
0x6: {  	_ = 	snop  }
0x7: {  	_ = 	snop  }
__scs_overlays_trampoline_lowered:
0x8: {  	[smem:$0x3FAE] =	sst s0  }
0x9: {  	[smem:$0x3FAF] =	sst s1  }
0xa: {  	[smem:$0x3FB0] =	sst s2  }
0xb: {  	[smem:$0x3FB1] =	sst s3  }
0xc: {  	[smem:$0x3FB2] =	sst s4  }
0xd: {  	[smem:$0x3FB3] =	sst s5  }
0xe: {  	[smem:$0x3FB4] =	sst s6  }
0xf: {  	[smem:$0x3FB5] =	sst s7  }
0x10: {  	[smem:$0x3FB6] =	sst s8  }
0x11: {  	[smem:$0x3FB7] =	sst s9;
	s0 =	simm.s32 @!p0 $0x0  }
0x12: {  	s1 =	sld [smem:$0x3F9D];
	s0 =	simm.s32 @p0 $0x1  }
0x13: {  	[smem:$0x3FB8] =	sst s0;
	s0 =	simm.s32 @!p1 $0x0  }
0x14: {  	s2 =	sld [smem:$0x3F9C];
	s0 =	simm.s32 @p1 $0x1  }
0x15: {  	[smem:$0x3FB9] =	sst s0;
	s0 =	simm.s32 @!p2 $0x0  }
0x16: {  	s3 =	sld [smem:$0x3FDB];
	s0 =	simm.s32 @p2 $0x1  }
0x17: {  	s4 =	simm.s32 $0x1BF5;
	[smem:$0x3FBB] =	sst s0  }
0x18: {  	s0 =	sld [smem:$0x3F9E];
	_ =	swait.ge [sflag:s4], $0x0  }
0x19: {  	s7 =	sld [smem:$0x3F9F]  }
0x1a: {  	s8 =	sadd.s32 $0xFFFFE003, lr  }
0x1b: {  	s9 =	sadd.s32 $0xFFFFFEF7, lr;
	s5 =	simm.s32 $0xFFFFFFFF;
	p2 =	slt.u32 s8, $0xFFFFF086  }
0x1c: {  	p1 =	slt.u32 s9, $0xF7A;
	s5 =	simm.s32 @!p2 $0x0  }
0x1d: {  	s5 =	simm.s32 @p1 $0x1;
	p0 =	seq.s32 s7, s2  }
0x1e: {  	s7 =	smul.u32 @!p0 $0xF7A, s2;
	p2 =	seq.s32 @!p0 s5, $0x0  }
0x1f: {  	s9 =	smul.u32 $0xF7A, s1;
	s8 =	simm.s32 @!p0 $0x1BF5;
	p2 =	por !p2, p0  }
0x20: {  	[sflag:s8] =	ssyncset.s32 @!p0 $0xFFFFF086;
	s6 =	sadd.s32 @!p0 s3, s7;
	s7 =	simm.s32 @!p0 $0x108  }
0x21: {  	s3 =	sadd.s32 s3, s9;
	s6 =	sadd.s32 @!p0 $0x88, s6;
	s7 =	simm.s32 @p2 $0x1082  }
0x22: {  	[simem:s7], [sflag:s8] =	dma.local @!p0 [hbm:s6], $0xF7A  }
0x23: {  	s9 =	sor.u32 $0xD0000000, s2;
	s6 =	simm.s32 $0x108;
	_ =	swait.ge @!p0 [sflag:s8], $0x0  }
0x24: {  	s3 =	sadd.s32 $0x88, s3;
	s6 =	simm.s32 @!p1 $0x1082;
	[sflag:s4] =	ssyncset.s32 $0xFFFFF086  }
0x25: {  	[simem:s6], [sflag:s4] =	dma.local [hbm:s3], $0xF7A  }
0x26: {  	[smem:$0x3F9F] =	sst s1;
	(tag) =	ssettag s2;
	_ =	strace s9  }
0x27: {  	s1 =	sld [smem:$0x3FAF]  }
0x28: {  	s2 =	sld [smem:$0x3FB0]  }
0x29: {  	s4 =	sld [smem:$0x3FB2]  }
0x2a: {  	p0 =	seq.s32 s5, $0x0;
	s5 =	sld [smem:$0x3FB3]  }
0x2b: {  	s6 =	sld [smem:$0x3FB4]  }
0x2c: {  	s7 =	sld [smem:$0x3FB5]  }
0x2d: {  	s3 =	simm.s32 $0x108;
	s8 =	sld [smem:$0x3FB6]  }
0x2e: {  	s3 =	simm.s32 @!p0 $0x1082;
	s9 =	sld [smem:$0x3FB7]  }
0x2f: {  	lr =	sadd.s32 s0, s3;
	s0 =	sld [smem:$0x3FAE]  }
0x30: {  	s3 =	sld [smem:$0x3FB1]  }
0x31: {  	[smem:$0x3FBA] =	sst s10  }
0x32: {  	s10 =	sld [smem:$0x3FB8];
	_ =	sdelay $0x3  }
0x33: {  	p0 =	seq.s32 s10, $0x1;
	s10 =	sld [smem:$0x3FBA];
	_ =	sdelay $0x3  }
0x34: {  	[smem:$0x3FBA] =	sst s10  }
0x35: {  	s10 =	sld [smem:$0x3FB9];
	_ =	sdelay $0x3  }
0x36: {  	p1 =	seq.s32 s10, $0x1;
	s10 =	sld [smem:$0x3FBA];
	_ =	sdelay $0x3  }
0x37: {  	[smem:$0x3FBA] =	sst s10  }
0x38: {  	s10 =	sld [smem:$0x3FBB]  }
0x39: {  	_ = 	snop;
	(pc) =	sbr.ind lr, $3  }
0x3a: {  	_ = 	snop  }
0x3b: {  	_ = 	snop  }
0x3c: {  	p2 =	seq.s32 s10, $0x1;
	s10 =	sld [smem:$0x3FBA]  }
0x3d: {  	_ =	shalt  }
0x3e: {  	_ =	shalt  }
0x3f: {  	_ =	shalt  }
0x40: {  	_ =	shalt  }
0x41: {  	_ =	shalt  }
0x42: {  	_ =	shalt  }
0x43: {  	_ =	shalt  }
0x44: {  	_ =	shalt  }
0x45: {  	_ =	shalt  }
0x46: {  	_ =	shalt  }
0x47: {  	_ =	shalt  }
0x48: {  	_ =	shalt  }
0x49: {  	_ =	shalt  }
0x4a: {  	_ =	shalt  }
0x4b: {  	_ =	shalt  }
0x4c: {  	_ =	shalt  }
0x4d: {  	_ =	shalt  }
0x4e: {  	_ =	shalt  }
0x4f: {  	_ =	shalt  }
0x50: {  	_ =	shalt  }
0x51: {  	_ =	shalt  }
0x52: {  	_ =	shalt  }
0x53: {  	_ =	shalt  }
0x54: {  	_ =	shalt  }
0x55: {  	_ =	shalt  }
0x56: {  	_ =	shalt  }
0x57: {  	_ =	shalt  }
0x58: {  	_ =	shalt  }
0x59: {  	_ =	shalt  }
0x5a: {  	_ =	shalt  }
0x5b: {  	_ =	shalt  }
0x5c: {  	_ =	shalt  }
0x5d: {  	_ =	shalt  }
0x5e: {  	_ =	shalt  }
0x5f: {  	_ =	shalt  }
0x60: {  	_ =	shalt  }
0x61: {  	_ =	shalt  }
0x62: {  	_ =	shalt  }
0x63: {  	_ =	shalt  }
0x64: {  	_ =	shalt  }
0x65: {  	_ =	shalt  }
0x66: {  	_ =	shalt  }
0x67: {  	_ =	shalt  }
0x68: {  	_ =	shalt  }
0x69: {  	_ =	shalt  }
0x6a: {  	_ =	shalt  }
0x6b: {  	_ =	shalt  }
0x6c: {  	_ =	shalt  }
0x6d: {  	_ =	shalt  }
0x6e: {  	_ =	shalt  }
0x6f: {  	_ =	shalt  }
0x70: {  	_ =	shalt  }
0x71: {  	_ =	shalt  }
0x72: {  	_ =	shalt  }
0x73: {  	_ =	shalt  }
0x74: {  	_ =	shalt  }
0x75: {  	_ =	shalt  }
0x76: {  	_ =	shalt  }
0x77: {  	_ =	shalt  }
0x78: {  	_ =	shalt  }
0x79: {  	_ =	shalt  }
0x7a: {  	_ =	shalt  }
0x7b: {  	_ =	shalt  }
0x7c: {  	_ =	shalt  }
0x7d: {  	_ =	shalt  }
0x7e: {  	_ =	shalt  }
0x7f: {  	_ =	shalt  }
0x80: {  	_ =	shalt  }
0x81: {  	_ =	shalt  }
0x82: {  	_ =	shalt  }
0x83: {  	_ =	shalt  }
0x84: {  	_ =	shalt  }
0x85: {  	_ =	shalt  }
0x86: {  	_ =	shalt  }
0x87: {  	_ =	shalt  }
.Lfunc_end0:
.L_simem_size_0:
called_computation.1_lowered:
.L_overlay_start_0:
0x88: {  	s2 =	sld [smem:$0x3FD9]  }
0x89: {  	s3 =	sld [smem:$0x3FFE];
	_ =	sdelay $0x1  }
0x8a: {  	s1 =	srdreg.scid  }
0x8b: {  	s0 =	sand.u32 $0x1, s1  }
0x8c: {  	s17 =	sshll.u32 s0, $0xA;
	s2 =	sadd.s32 s3, s2  }
0x8d: {  	s2 =	sadd.s32 s2, s17  }
0x8e: {  	[smem:$0x3FC6] =	sst s2  }
0x8f: {  	_ = 	snop  }
0x90: {  	s2 =	sld [smem:$0x3FD0];
	(tm) =	ssettm $0x1  }
0x91: {  	s18 =	sld [smem:$0x3FFB];
	_ =	sdelay $0x3  }
0x92: {  	_ =	strace s18  }
0x93: {  	s3 =	sld [smem:$0x3FFC];
	_ =	sdelay $0x3  }
0x94: {  	_ =	strace s3  }
0x95: {  	s3 =	sld [smem:$0x3FFD];
	_ =	sdelay $0x3  }
0x96: {  	_ =	strace s3  }
0x97: {  	_ =	strace $0x8FFFFFFF  }
0x98: {  	s19 =	sld [smem:$0x3FDB];
	_ =	sdelay $0x1  }
0x99: {  	s4 =	simm.s32 $_scs_section_size  }
0x9a: {  	s5 =	simm.s32 $_size__tile_overlayer_lowered;
	s6 =	simm.s32 $_tile_overlayer_lowered  }
0x9b: {  	s22 =	simm.s32 $0x1BFF;
	s21 =	sshll.u32 s6, $0x1;
	s3 =	sadd.s32 s4, s19  }
0x9c: {  	s7 =	simm.s32 $0x0;
	s20 =	sshll.u32 s5, $0x1;
	s5 =	sadd.s32 s21, s3  }
0x9d: {  	[timem:s7], [sflag:s22] =	dma.local [hbm:s5], s20  }
0x9e: {  	_ =	swait.ge [sflag:s22], s20  }
0x9f: {  	s4 =	ssub.s32 $0x0, s20;
	[sflag:s22] =	ssyncset.done $0x0  }
0xa0: {  	[sflag:s22] =	ssyncadd.s32 s4;
	_ =	sdelay $0x1  }
0xa1: {  	s23 =	simm.s32 $0x1B8B  }
0xa2: {  	_ =	swait.ge [sflag:s23], $0x1  }
0xa3: {  	[sflag:s23] =	ssyncset.done $0x0  }
0xa4: {  	s25 =	simm.s32 $0x1B8E;
	s24 =	sld [smem:$0x3FFE];
	[sflag:s23] =	ssyncadd.s32 $0xFFFFFFFF  }
0xa5: {  	s26 =	simm.s32 $execute0_lowered;
	[smem:$0x3FD2] =	sst s25  }
0xa6: {  	s5 =	sshll.u32 s26, $0x1;
	_ =	strace $0x80000049;
	[dreg:$0x1] =	wrdreg $0xFFFFFFFF  }
0xa7: {  	s28 =	simm.s32 $_size_execute0_lowered;
	s3 =	sadd.s32 s3, s5;
	[dreg:$0x0] =	wrdreg $0x0  }
0xa8: {  	s5 =	sshll.u32 s28, $0x1;
	[dreg:$0x2] =	wrdreg s3  }
0xa9: {  	[dreg:$0x3] =	wrdreg s5  }
0xaa: {  	[dreg:$0x4] =	wrdreg $0xC0  }
0xab: {  	_ =	task [dreg:s7], $0x5FFFF  }
0xac: {  	[dreg:$0x1] =	wrdreg $0xFFFFFFFF  }
0xad: {  	[dreg:$0x0] =	wrdreg $0x60  }
0xae: {  	[dreg:$0x2] =	wrdreg s24  }
0xaf: {  	[dreg:$0x3] =	wrdreg s2  }
0xb0: {  	[dreg:$0x4] =	wrdreg $0x9  }
0xb1: {  	_ =	task.clear_ibuf [dreg:s7], $0x5FFFF;
	_ =	strace $0x90000049  }
0xb2: {  	s29 =	simm.s32 $0x9;
	_ =	strace $0x8000004B  }
0xb3: {  	_ =	swait.ge [sflag:s29], $0x1  }
0xb4: {  	[sflag:s29] =	ssyncadd.s32 $0xFFFFFFFF  }
0xb5: {  	_ =	strace $0x9000004B  }
0xb6: {  	_ =	sfence  }
0xb7: {  	s30 =	sld [smem:$0x0];
	_ =	sdelay $0x2  }
0xb8: {  	s31 =	sshll.u32 s1, $0xD;
	s1 =	sshrl.u32 s1, $0x2  }
0xb9: {  	s3 =	sand.u32 $0x4000, s31;
	s1 =	sadd.s32 s1, s30  }
0xba: {  	s0 =	sor.u32 s3, s0;
	s1 =	sshll.u32 s1, $0x11  }
0xbb: {  	s0 =	sor.u32 s1, s0  }
0xbc: {  	s0 =	sadd.s32 $0x8F2B, s0  }
0xbd: {  	[sflag:s0] =	ssyncadd.remote.s32 $0x1  }
0xbe: {  	_ =	sfence.sel $0xFFFF  }
0xbf: {  	[dreg:$0x0] =	wrdreg $0xFFFFFFFF;
	(pc) =	sbr.abs _section_cstart, $3  }
0xc0: {  	[dreg:$0x1] =	wrdreg $0xFFFFFFFF  }
0xc1: {  	_ =	task.clear_ibuf [dreg:s7], $0x2FFFF;
	_ =	strace $0x9FFFFFFF  }
0xc2: {  	(tm) =	ssettm $0x7FFFFFFF  }
0xc3: {  	_ =	shalt  }
tec
execute0_lowered:
.L_overlay_start_1:
0x0: {  	(tag) =	ssettag $0x1  }
0x1: {  	s0 =	srdreg.scid  }
0x2: {  	s3 =	sand.u32 $0x1, s0;
	s0 =	stileid.u32  }
0x3: {  	s5 =	sshll.u32 s3, $0x4;
	s6 =	ssub.s32 $0x0, s0  }
0x4: {  	p0 =	sne.s32 s5, s6  }
.Ltmp0:
0x5: {  	_ = 	snop;
	(pc) =	sbr.rel @p0 .LBB2_5-.Ltmp0, $4  }
0x6: {  	_ = 	snop  }
0x7: {  	s4 =	rddreg [dreg:$0x0]  }
0x8: {  	s2 =	rddreg [dreg:$0x1]  }
0x9: {  	s1 =	rddreg [dreg:$0x2];
	_ =	strace $0x8000004A  }
0xa: {  	v0 =	vimm.s32 $0xFEDCBA98;
	v1 =	vimm.s32 $0x76543210  }
0xb: {  	v2 =	vimm.s32 $0xBA98FEDC;
	v3 =	vimm.s32 $0x32107654;
	v4 =	vimm.s32 $0xDCFE98BA  }
0xc: {  	v5 =	vimm.s32 $0x54761032;
	v6 =	vimm.s32 $0xEFCDAB89;
	v7 =	vimm.s32 $0x67452301  }
0xd: {  	v0 =	vunpack.c.l.s4.s8 v0;
	v1 =	vunpack.c.l.s4.s8 v1;
	v2 =	vunpack.c.l.s4.s8 v2  }
0xe: {  	v3 =	vunpack.c.l.s4.s8 v3;
	v4 =	vunpack.c.l.s4.s8 v4;
	v5 =	vunpack.c.l.s4.s8 v5  }
0xf: {  	v6 =	vunpack.c.l.s4.s8 v6;
	v7 =	vunpack.c.l.s4.s8 v7;
	v0 =	vunpack.c.0.s8.s32 v0  }
0x10: {  	v2 =	vunpack.c.0.s8.s32 v2;
	v3 =	vunpack.c.0.s8.s32 v3;
	v4 =	vunpack.c.0.s8.s32 v4  }
0x11: {  	v5 =	vunpack.c.0.s8.s32 v5;
	v6 =	vunpack.c.0.s8.s32 v6;
	v7 =	vunpack.c.0.s8.s32 v7  }
0x12: {  	s5 =	ssub.s32 $0x2, s3;
	s3 =	sadd.s32 $0x3E00, s4;
	v1 =	vunpack.c.0.s8.s32 v1;
	v2 =	vcombine.low v3, v2  }
0x13: {  	s4 =	sadd.s32 $0x5E00, s4;
	s7 =	simm.s32 $0x1;
	s6 =	sshrl.u32 s5, $0x1;
	v3 =	vcombine.low v5, v4;
	v4 =	vcombine.low v7, v6;
	v0 =	vand.u32 $0xF, v0  }
0x14: {  	s8 =	simm.s32 $0x10000;
	vm0 =	vcmask $0x300;
	s9 =	simm.s32 $0x11000;
	s5 =	ssub.s32 s5, s6;
	v0 =	vcombine.low v0, v1  }
0x15: {  	s10 =	simm.s32 $0x0;
	s6 =	simm.s32 $0x0;
	s5 =	smax.u32 s5, $0x1;
	v1 =	vand.u32 $0xF, v2;
	v2 =	vand.u32 $0xF, v3;
	v3 =	vand.u32 $0xF, v4  }
.LBB2_2:
0x16: {  	[tilespmem:s6], [sflag:$0x1] =	stream.linear.gather [hbm4b:s3+s6], $0x10000, $0x38;
	[tilespmem:$0x11080] =	vst v63  }
0x17: {  	_ =	swait.ge [sflag:s7], $0x10000  }
0x18: {  	s11 =	simm.s32 $0x0;
	s12 =	simm.s32 $0x0;
	[sflag:s7] =	ssyncset.done $0x0  }
0x19: {  	s11 =	sand.u32 $0xC000, s11;
	s12 =	sand.u32 $0x200, s12;
	[sflag:s7] =	ssyncadd.s32 $0xFFFF0000  }
0x1a: {  	[tilespmem:s8], [sflag:$0x1] =	stream.linear.gather [hbm4b:s4+s6], $0x1000, $0x38;
	[tilespmem:$0x11080] =	vst v63  }
0x1b: {  	s13 =	sand.u32 $0x3C00, s6;
	s11 =	sor.u32 s12, s11;
	_ =	swait.ge [sflag:s7], $0x1000  }
0x1c: {  	s28 =	sand.u32 $0x70, s6;
	s11 =	sor.u32 s13, s11;
	[sflag:s7] =	ssyncset.done $0x0  }
0x1d: {  	s14 =	sor.u32 s28, s11;
	[sflag:s7] =	ssyncadd.s32 $0xFFFFF000  }
0x1e: {  	v5 =	vld [tilespmem:s14+$0x0]  }
0x1f: {  	s29 =	simm.s32 $0x40;
	s30 =	simm.s32 $0x4;
	v6 =	vld [tilespmem:s14+$0x80]  }
0x20: {  	s31 =	sand.u32 $0xC000, s29;
	s12 =	sand.u32 $0x200, s30;
	s11 =	simm.s32 $0x80;
	v7 =	vld [tilespmem:s14+$0x100]  }
0x21: {  	s13 =	sor.u32 s12, s31;
	s12 =	simm.s32 $0x10;
	s15 =	sand.u32 $0x3C00, s11;
	v8 =	vld [tilespmem:s14+$0x180]  }
0x22: {  	s16 =	sand.u32 $0x70, s12;
	s15 =	sor.u32 s15, s13  }
0x23: {  	v4 =	vimm.f32 $0.0e+00;
	s13 =	simm.s32 $0x2;
	s14 =	sor.u32 s16, s15  }
.LBB2_3:
0x24: {  	s15 =	sshll.u32 s13, $0x6;
	v9 =	vmin.f32 v5, v6;
	v5 =	vld [tilespmem:s14+$0x0];
	s16 =	sshll.u32 s13, $0x2;
	p0 =	seq.s32 s13, $0x3FF  }
.Ltmp1:
0x25: {  	s11 =	sadd.s32 $0x80, s11;
	s15 =	sand.u32 $0xC000, s15;
	v6 =	vld [tilespmem:s14+$0x80];
	v9 =	vmin.f32 v9, v7;
	(pc) =	sbr.rel @!p0 .LBB2_3-.Ltmp1, $4  }
0x26: {  	s13 =	sadd.s32 $0x1, s13;
	s16 =	sand.u32 $0x200, s16;
	v7 =	vld [tilespmem:s14+$0x100];
	v9 =	vmin.f32 v9, v8  }
0x27: {  	s12 =	sadd.s32 $0x10, s12;
	s17 =	sand.u32 $0x3C00, s11;
	s15 =	sor.u32 s16, s15;
	v8 =	vld [tilespmem:s14+$0x180];
	v4 =	vadd.f32 v9, v4  }
0x28: {  	s14 =	sand.u32 $0x70, s12;
	s15 =	sor.u32 s17, s15  }
0x29: {  	s14 =	sor.u32 s14, s15  }
0x2a: {  	v9 =	vld [tilespmem:s14+$0x0]  }
0x2b: {  	v10 =	vld [tilespmem:s14+$0x80]  }
0x2c: {  	v11 =	vld [tilespmem:s14+$0x100]  }
0x2d: {  	v12 =	vld [tilespmem:s14+$0x180]  }
0x2e: {  	v5 =	vmin.f32 v5, v6  }
0x2f: {  	v5 =	vmin.f32 v5, v7  }
0x30: {  	v5 =	vmin.f32 v5, v8;
	v30 =	vmin.f32 v9, v10  }
0x31: {  	v4 =	vadd.f32 v5, v4;
	v5 =	vmin.f32 v30, v11  }
0x32: {  	v5 =	vmin.f32 v5, v12  }
0x33: {  	v4 =	vadd.f32 v5, v4;
	v5 =	vld [tilespmem:$0x10000];
	_ =	sdelay $0x1  }
0x34: {  	v31 =	vld [tilespmem:$0x10080];
	_ =	sdelay $0x1  }
0x35: {  	v32 =	vld [tilespmem:$0x10100]  }
0x36: {  	v5 =	vadd.f32 $0.0e+00, v5  }
0x37: {  	v33 =	vld [tilespmem:$0x10180]  }
0x38: {  	v5 =	vadd.f32 v31, v5  }
0x39: {  	v34 =	vld [tilespmem:$0x10200]  }
0x3a: {  	v5 =	vadd.f32 v32, v5  }
0x3b: {  	v35 =	vld [tilespmem:$0x10280]  }
0x3c: {  	v5 =	vadd.f32 v33, v5  }
0x3d: {  	v36 =	vld [tilespmem:$0x10300]  }
0x3e: {  	v5 =	vadd.f32 v34, v5  }
0x3f: {  	v37 =	vld [tilespmem:$0x10380]  }
0x40: {  	v5 =	vadd.f32 v35, v5  }
0x41: {  	v38 =	vld [tilespmem:$0x10400]  }
0x42: {  	v5 =	vadd.f32 v36, v5  }
0x43: {  	v39 =	vld [tilespmem:$0x10480]  }
0x44: {  	v5 =	vadd.f32 v37, v5  }
0x45: {  	v40 =	vld [tilespmem:$0x10500]  }
0x46: {  	v5 =	vadd.f32 v38, v5  }
0x47: {  	v41 =	vld [tilespmem:$0x10580]  }
0x48: {  	v5 =	vadd.f32 v39, v5  }
0x49: {  	v42 =	vld [tilespmem:$0x10600]  }
0x4a: {  	v5 =	vadd.f32 v40, v5  }
0x4b: {  	v43 =	vld [tilespmem:$0x10680]  }
0x4c: {  	v5 =	vadd.f32 v41, v5  }
0x4d: {  	v44 =	vld [tilespmem:$0x10700]  }
0x4e: {  	v5 =	vadd.f32 v42, v5  }
0x4f: {  	v45 =	vld [tilespmem:$0x10780]  }
0x50: {  	v5 =	vadd.f32 v43, v5  }
0x51: {  	v46 =	vld [tilespmem:$0x10800]  }
0x52: {  	v5 =	vadd.f32 v44, v5  }
0x53: {  	v47 =	vld [tilespmem:$0x10880]  }
0x54: {  	v5 =	vadd.f32 v45, v5  }
0x55: {  	v48 =	vld [tilespmem:$0x10900]  }
0x56: {  	v5 =	vadd.f32 v46, v5  }
0x57: {  	v49 =	vld [tilespmem:$0x10980]  }
0x58: {  	v5 =	vadd.f32 v47, v5  }
0x59: {  	v50 =	vld [tilespmem:$0x10A00]  }
0x5a: {  	v5 =	vadd.f32 v48, v5  }
0x5b: {  	v51 =	vld [tilespmem:$0x10A80]  }
0x5c: {  	v5 =	vadd.f32 v49, v5  }
0x5d: {  	v52 =	vld [tilespmem:$0x10B00]  }
0x5e: {  	v5 =	vadd.f32 v50, v5  }
0x5f: {  	v53 =	vld [tilespmem:$0x10B80]  }
0x60: {  	v5 =	vadd.f32 v51, v5  }
0x61: {  	v54 =	vld [tilespmem:$0x10C00]  }
0x62: {  	v5 =	vadd.f32 v52, v5  }
0x63: {  	v55 =	vld [tilespmem:$0x10C80]  }
0x64: {  	v5 =	vadd.f32 v53, v5  }
0x65: {  	v56 =	vld [tilespmem:$0x10D00]  }
0x66: {  	v5 =	vadd.f32 v54, v5  }
0x67: {  	v57 =	vld [tilespmem:$0x10D80]  }
0x68: {  	v5 =	vadd.f32 v55, v5  }
0x69: {  	v58 =	vld [tilespmem:$0x10E00]  }
0x6a: {  	v5 =	vadd.f32 v56, v5  }
0x6b: {  	v59 =	vld [tilespmem:$0x10E80]  }
0x6c: {  	v5 =	vadd.f32 v57, v5  }
0x6d: {  	v60 =	vld [tilespmem:$0x10F00]  }
0x6e: {  	v5 =	vadd.f32 v58, v5  }
0x6f: {  	v61 =	vld [tilespmem:$0x10F80]  }
0x70: {  	v5 =	vadd.f32 v59, v5;
	_ =	sdelay $0x1  }
0x71: {  	v5 =	vadd.f32 v60, v5;
	_ =	sdelay $0x1  }
0x72: {  	v5 =	vadd.f32 v61, v5  }
0x73: {  	v62 =	vperm.xlane v4, v0  }
0x74: {  	v63 =	vperm.xlane v5, v0  }
0x75: {  	v4 =	vadd.f32 v62, v4  }
0x76: {  	v5 =	vadd.f32 v63, v5  }
0x77: {  	v6 =	vperm.xlane v4, v1  }
0x78: {  	v7 =	vperm.xlane v5, v1  }
0x79: {  	v4 =	vadd.f32 v6, v4  }
0x7a: {  	v5 =	vadd.f32 v7, v5  }
0x7b: {  	v6 =	vperm.xlane v4, v2  }
0x7c: {  	v7 =	vperm.xlane v5, v2  }
0x7d: {  	v4 =	vadd.f32 v6, v4  }
0x7e: {  	v5 =	vadd.f32 v7, v5  }
0x7f: {  	v6 =	vperm.xlane v4, v3  }
0x80: {  	v7 =	vperm.xlane v5, v3  }
0x81: {  	v4 =	vadd.f32 v6, v4  }
0x82: {  	v5 =	vadd.f32 v7, v5  }
0x83: {  	(v2sf) =	vpush v4, $0x0  }
0x84: {  	(v2sf) =	vpush v5, $0x0;
	_ =	sdelay $0xd  }
0x85: {  	s11 =	spop (v2sf)  }
0x86: {  	s12 =	spop (v2sf)  }
0x87: {  	s11 =	sadd.f32 s12, s11;
	_ =	sdelay $0x1  }
0x88: {  	s11 =	smul.f32 $6.103515630e-05, s11;
	_ =	sdelay $0x1  }
0x89: {  	s10 =	sadd.s32 $0x1, s10;
	v4 =	vmov s11  }
0x8a: {  	p0 =	seq.s32 s10, s5;
	v4 =	vnsel vm0, $0x0, v4  }
.Ltmp2:
0x8b: {  	[tilespmem:$0x11000] =	vst v4;
	(pc) =	sbr.rel @!p0 .LBB2_2-.Ltmp2, $4  }
0x8c: {  	[hbm4b:s2+s6] =	stream.linear.scatter [tilespmem:s9], [sflag:$0x1], $0x80, $0x38;
	[tilespmem:$0x11080] =	vst v63  }
0x8d: {  	_ =	swait.ge [sflag:s7], $0x80  }
0x8e: {  	[sflag:s7] =	ssyncset.done $0x0  }
0x8f: {  	[sflag:s7] =	ssyncadd.s32 $0xFFFFFF80  }
.LBB2_5:
0x90: {  	_ =	sfence.sel $0x180000  }
0x91: {  	[bflag:$0x0] =	sbarrier.arrive $0xFFFF  }
0x92: {  	p0 =	sne.s32 s0, $0x0;
	_ =	strace $0x9000004A  }
0x93: {  	s0 =	sadd.s32 @!p0 $0x100000, s1;
	[bflag:$0x2] =	sbarrier.arrive $0xFFFF  }
0x94: {  	[sflag:s0] =	ssyncadd.tile.s32 @!p0 $0x1;
	_ =	shalt  }
.Lfunc_end2:
_tile_overlayer_lowered:
.L_overlay_start_2:
0x95: {  	(tag) =	ssettag $0x2  }
0x96: {  	s0 =	rddreg [dreg:$0x0];
	s2 =	stileid.u32  }
0x97: {  	s1 =	rddreg [dreg:$0x1];
	p0 =	sne.s32 s2, $0x0  }
0x98: {  	s3 =	rddreg [dreg:$0x2];
	[bflag:$0x3] =	sbarrier.arrive $0xFFFF;
	s2 =	simm.s32 @!p0 $0x1C01  }
0x99: {  	[timem:s3], [sflag:s2] =	dma.local @!p0 [hbm:s0], s1  }
0x9a: {  	s0 =	simm.s32 @!p0 $0x1  }
0x9b: {  	_ =	swait.ge @!p0 [sflag:s0], s1  }
0x9c: {  	s1 =	ssub.s32 @!p0 $0x0, s1;
	[sflag:s0] =	ssyncset.done @!p0 $0x0  }
0x9d: {  	[sflag:s0] =	ssyncadd.s32 @!p0 s1  }
0x9e: {  	[bflag:$0x3] =	sbarrier.arrive $0xFFFF  }
0x9f: {  	_ =	shalt  }

</sc_bundles>
